<compile_context>
chip_gen: v7x
topology: tpu7x:2x2x1
jax: 0.10.2.dev20260603
libtpu: 0.0.44.dev20260713+nightly
codegen_flags: <defaults>
</compile_context>

<pallas_src>
import functools

import jax
import jax.numpy as jnp
from jax import lax
from jax.experimental import pallas as pl
from jax.experimental.pallas import tpu as pltpu
from jax.experimental.pallas import tpu_sc as plsc

BINS = 16
LO = 1.0
HI = 80.0
WIDTH = (HI - LO) / BINS
B, N, C = 4, 2048, 3
FEAT = 128
HID = FEAT // 2

S4 = 1792
T4 = N - S4
ROWS = 128

NW = 32
RW = B * S4 // NW
WPB = 8
GROUPS = RW // 16

_NF = 256
_FINE = 1.0 / 32.0


def _make_tables():
    import numpy as np
    edges = np.float32(LO) + np.arange(1, BINS, dtype=np.float32) * np.float32(WIDTH)
    e2 = (edges * edges).astype(np.float32)
    tbl = np.zeros(_NF, np.int32)
    e2b = np.full(_NF, np.inf, np.float32)
    for f in range(_NF):
        lo_sq = 32.0 * f
        tbl[f] = np.sum(e2 <= lo_sq)
        inb = [v for v in e2 if lo_sq < v < 32.0 * (f + 1)]
        if inb:
            e2b[f] = inb[0]
    return tbl, e2b


_TBL_NP, _E2B_NP = _make_tables()


def _sc_hist_body(xt_hbm, tbl_hbm, e2b_hbm, counts_hbm,
                  x0_v, x1_v, x2_v, tbl_v, e2b_v, c0_v, c1_v, c2_v, c3_v):
    bufs = (c0_v, c1_v, c2_v, c3_v)
    wid = lax.axis_index("s") * 2 + lax.axis_index("c")
    b = wid // WPB
    i_off = (wid % WPB) * RW

    pltpu.sync_copy(xt_hbm.at[pl.ds((b * C + 0) * N, N)], x0_v)
    pltpu.sync_copy(xt_hbm.at[pl.ds((b * C + 1) * N, N)], x1_v)
    pltpu.sync_copy(xt_hbm.at[pl.ds((b * C + 2) * N, N)], x2_v)
    pltpu.sync_copy(tbl_hbm, tbl_v)
    pltpu.sync_copy(e2b_hbm, e2b_v)

    zeros16 = jnp.zeros((16,), jnp.float32)

    def zrow(r, carry):
        for cb in bufs:
            cb[pl.ds(r * 16, 16)] = zeros16
        return carry

    lax.fori_loop(0, RW * BINS // 16, zrow, 0)

    lane = lax.iota(jnp.int32, 16)
    ones = jnp.ones((16,), jnp.float32)

    def group_body(g, carry):
        base = i_off + g * 16
        xi0 = x0_v[pl.ds(base, 16)]
        xi1 = x1_v[pl.ds(base, 16)]
        xi2 = x2_v[pl.ds(base, 16)]
        rowbase = (g * 16 + lane) * BINS

        @functools.partial(plsc.parallel_loop, 0, N // 16, unroll=2)
        def jv_body(jv):
            xj0 = x0_v[pl.ds(jv * 16, 16)]
            xj1 = x1_v[pl.ds(jv * 16, 16)]
            xj2 = x2_v[pl.ds(jv * 16, 16)]
            for l in range(16):
                d0 = xi0 - xj0[l]
                d1 = xi1 - xj1[l]
                d2 = xi2 - xj2[l]
                sq = d0 * d0 + d1 * d1 + d2 * d2
                f = jnp.minimum(sq * _FINE, float(_NF - 1)).astype(jnp.int32)
                tb = plsc.load_gather(tbl_v, [f])
                eb = plsc.load_gather(e2b_v, [f])
                idx = tb + (sq >= eb).astype(jnp.int32)
                valid = (sq >= LO * LO) & (sq <= HI * HI)
                plsc.addupdate_scatter(bufs[l % 4], [rowbase + idx], ones,
                                       mask=valid)

        return carry

    lax.fori_loop(0, GROUPS, group_body, 0)

    def mrow(r, carry):
        sl = pl.ds(r * 16, 16)
        c0_v[sl] = (c0_v[sl] + c1_v[sl]) + (c2_v[sl] + c3_v[sl])
        return carry

    lax.fori_loop(0, RW * BINS // 16, mrow, 0)

    pltpu.sync_copy(c0_v, counts_hbm.at[pl.ds(wid * RW * BINS, RW * BINS)])


def _histograms_sc(xt):
    f = functools.partial(
        pl.kernel,
        out_type=jax.ShapeDtypeStruct((B * S4 * BINS,), jnp.float32),
        mesh=plsc.VectorSubcoreMesh(core_axis_name="c", subcore_axis_name="s"),
        compiler_params=pltpu.CompilerParams(needs_layout_passes=False),
        scratch_types=[
            pltpu.VMEM((N,), jnp.float32),
            pltpu.VMEM((N,), jnp.float32),
            pltpu.VMEM((N,), jnp.float32),
            pltpu.VMEM((_NF,), jnp.int32),
            pltpu.VMEM((_NF,), jnp.float32),
            pltpu.VMEM((RW * BINS,), jnp.float32),
            pltpu.VMEM((RW * BINS,), jnp.float32),
            pltpu.VMEM((RW * BINS,), jnp.float32),
            pltpu.VMEM((RW * BINS,), jnp.float32),
        ],
    )(_sc_hist_body)
    return f(xt, jnp.asarray(_TBL_NP), jnp.asarray(_E2B_NP)).reshape(B, S4, BINS)


def _sq_edges():
    import numpy as np
    edges = np.float32(LO) + np.arange(1, BINS, dtype=np.float32) * np.float32(WIDTH)
    return [float(v) for v in (edges * edges).astype(np.float32)]


_SQ_EDGES = _sq_edges()


def _tc_hist_body(xi_ref, xj_ref, counts_ref):
    sq = None
    for c in range(C):
        d = xi_ref[0, :, c:c + 1] - xj_ref[0, c:c + 1, :]
        sq = d * d if sq is None else sq + d * d
    cs = []
    for k in range(BINS + 1):
        if k == 0:
            ge = sq >= (LO * LO)
        elif k == BINS:
            ge = sq > (HI * HI)
        else:
            ge = sq >= _SQ_EDGES[k - 1]
        cs.append(jnp.sum(jnp.where(ge, 1.0, 0.0), axis=1, keepdims=True))
    counts_ref[...] = jnp.concatenate(
        [cs[k] - cs[k + 1] for k in range(BINS)], axis=1)


def _histograms_tc(x, xt2d):
    nb = T4 // ROWS
    return pl.pallas_call(
        _tc_hist_body,
        grid=(B, nb),
        in_specs=[
            pl.BlockSpec((1, ROWS, C), lambda b, r: (b, (S4 // ROWS) + r, 0)),
            pl.BlockSpec((1, C, N), lambda b, r: (b, 0, 0)),
        ],
        out_specs=pl.BlockSpec((ROWS, BINS), lambda b, r: (b * nb + r, 0)),
        out_shape=jax.ShapeDtypeStruct((B * T4, BINS), jnp.float32),
    )(x, xt2d).reshape(B, T4, BINS)


def _mlp_body(csc_ref, ctc_ref, fea_ref, W1_ref, b1_ref, g1_ref, be1_ref,
              W2_ref, b2_ref, g2_ref, be2_ref, W3_ref, b3_ref, out_ref):
    parts = []
    for b in range(B):
        parts.append(csc_ref[b])
        parts.append(ctc_ref[b])
    counts = jnp.concatenate(parts, axis=0)
    s = jnp.sum(counts, axis=1, keepdims=True)
    hist = counts / s

    def bn(z, g, be):
        m = jnp.mean(z, axis=1, keepdims=True)
        v = jnp.mean((z - m) * (z - m), axis=1, keepdims=True)
        return (z - m) / jnp.sqrt(v + 1e-5) * g + be

    z1 = jax.lax.dot_general(W1_ref[...], hist, (((1,), (1,)), ((), ())),
                             preferred_element_type=jnp.float32) + b1_ref[...]
    h1 = jax.nn.relu(bn(z1, g1_ref[...], be1_ref[...]))
    z2 = jax.lax.dot_general(W2_ref[...], h1, (((1,), (0,)), ((), ())),
                             preferred_element_type=jnp.float32) + b2_ref[...]
    h2 = jax.nn.relu(bn(z2, g2_ref[...], be2_ref[...]))
    z3 = jax.lax.dot_general(W3_ref[...], h2, (((1,), (0,)), ((), ())),
                             preferred_element_type=jnp.float32) + b3_ref[...]
    for b in range(B):
        out_ref[b] = fea_ref[b] + z3[:, b * N:(b + 1) * N]


def kernel(x, fea, W1, b1, g1, be1, W2, b2, g2, be2, W3, b3):
    xt = jnp.transpose(x, (0, 2, 1))
    counts_sc = _histograms_sc(xt.reshape(-1))
    counts_tc = _histograms_tc(x, xt)
    out = pl.pallas_call(
        _mlp_body,
        out_shape=jax.ShapeDtypeStruct((B, FEAT, N), jnp.float32),
    )(counts_sc, counts_tc, fea, W1, b1.reshape(HID, 1), g1.reshape(HID, 1),
      be1.reshape(HID, 1), W2, b2.reshape(HID, 1), g2.reshape(HID, 1),
      be2.reshape(HID, 1), W3, b3.reshape(FEAT, 1))
    return out

# --- scband reference (transcript-rebuilt; emitter-appended) ---
"""Pipeline reference for scband-encode-position-9448928051745 (READ-ONLY COPY).

The authoritative reference and input builder live on the scoring server;
editing this copy changes nothing except your own understanding.
"""

import jax, jax.numpy as jnp
import numpy as np

BINS = 16
FEAT = 128
B, N, C = 4, 2048, 3


def setup_inputs(seed: int = 0) -> dict:
    key = jax.random.key(seed)
    ks = jax.random.split(key, 10)
    x = jax.random.normal(ks[0], (B, N, C), dtype=jnp.float32)
    fea = jax.random.normal(ks[1], (B, FEAT, N), dtype=jnp.float32)
    h = FEAT // 2

    def kaiming(k, shape, fan_in):
        bound = 1.0 / np.sqrt(fan_in)
        return jax.random.uniform(k, shape, minval=-bound, maxval=bound, dtype=jnp.float32)

    W1 = kaiming(ks[2], (h, BINS), BINS)
    b1 = kaiming(ks[3], (h,), BINS)
    g1 = jnp.ones((h,), jnp.float32)
    be1 = jnp.zeros((h,), jnp.float32)
    W2 = kaiming(ks[4], (h, h), h)
    b2 = kaiming(ks[5], (h,), h)
    g2 = jnp.ones((h,), jnp.float32)
    be2 = jnp.zeros((h,), jnp.float32)
    W3 = kaiming(ks[6], (FEAT, h), h)
    b3 = kaiming(ks[7], (FEAT,), h)
    return {"x": x, "fea": fea, "W1": W1, "b1": b1, "g1": g1, "be1": be1,
            "W2": W2, "b2": b2, "g2": g2, "be2": be2, "W3": W3, "b3": b3}


def _histc_rows(d, bins=BINS, lo=1.0, hi=80.0):
    # vectorized equivalent of torch.histc(distance[i, j], bins, min=1, max=80)
    # applied per row; values outside [lo, hi] are ignored, values == hi go to last bin
    b, n, _ = d.shape
    width = (hi - lo) / bins
    idx = jnp.floor((d - lo) / width).astype(jnp.int32)
    idx = jnp.clip(idx, 0, bins - 1)
    valid = ((d >= lo) & (d <= hi)).astype(jnp.float32)
    bb = jnp.broadcast_to(jnp.arange(b)[:, None, None], d.shape)
    ii = jnp.broadcast_to(jnp.arange(n)[None, :, None], d.shape)
    hists = jnp.zeros((b, n, bins), jnp.float32).at[bb, ii, idx].add(valid)
    return hists


def _bn_train(x, gamma, beta, eps=1e-5):
    # BatchNorm1d in training mode: biased batch stats over (batch, length)
    mean = jnp.mean(x, axis=(0, 2), keepdims=True)
    var = jnp.var(x, axis=(0, 2), keepdims=True)
    xn = (x - mean) / jnp.sqrt(var + eps)
    return xn * gamma[None, :, None] + beta[None, :, None]


def _conv1x1(x, W, b):
    # Conv1d with kernel_size=1 == channel matmul
    return jnp.einsum('oi,bin->bon', W, x) + b[None, :, None]


def reference(x, fea, W1, b1, g1, be1, W2, b2, g2, be2, W3, b3):
    dx = x[:, None, :, :] - x[:, :, None, :]          # [b, n, n, c]
    sq = jnp.sum(dx * dx, axis=3)
    distance = jnp.sqrt(jnp.maximum(sq, 1e-24))        # [b, n, n]; safe sqrt (diag==0 is < min bin anyway)
    hists = _histc_rows(distance)                      # [b, n, 16]
    hists = hists / jnp.sum(hists, axis=2, keepdims=True)
    x3 = jnp.transpose(hists, (0, 2, 1))               # [b, 16, n]
    h = _conv1x1(x3, W1, b1)
    h = jax.nn.relu(_bn_train(h, g1, be1))
    h = _conv1x1(h, W2, b2)
    h = jax.nn.relu(_bn_train(h, g2, be2))
    x4 = _conv1x1(h, W3, b3)                           # [b, 128, n]
    return fea + x4

if __name__ == "__main__":
    import jax
    _d = setup_inputs()
    print(jax.jit(kernel)(*tuple(_d.values())))

</pallas_src>

<mosaic_0001>
#map = affine_map<(d0, d1) -> (0)>
module attributes {stable_mosaic.version = 14 : i64} {
  func.func @_sc_hist_body(%arg0: i32, %arg1: i32, %arg2: memref<24576xf32, #tpu.memory_space<hbm>>, %arg3: memref<256xi32, #tpu.memory_space<hbm>>, %arg4: memref<256xf32, #tpu.memory_space<hbm>>, %arg5: memref<114688xf32, #tpu.memory_space<hbm>>, %arg6: memref<2048xf32, #tpu.memory_space<vmem>>, %arg7: memref<2048xf32, #tpu.memory_space<vmem>>, %arg8: memref<2048xf32, #tpu.memory_space<vmem>>, %arg9: memref<256xi32, #tpu.memory_space<vmem>>, %arg10: memref<256xf32, #tpu.memory_space<vmem>>, %arg11: memref<3584xf32, #tpu.memory_space<vmem>>, %arg12: memref<3584xf32, #tpu.memory_space<vmem>>, %arg13: memref<3584xf32, #tpu.memory_space<vmem>>, %arg14: memref<3584xf32, #tpu.memory_space<vmem>>) attributes {dimension_semantics = [#tpu.dimension_semantics<core_parallel>, #tpu.dimension_semantics<subcore_parallel>], iteration_bounds = array<i64: 2, 16>, scalar_prefetch = 0 : i64, scratch_operands = 9 : i64, tpu.core_type = #tpu.core_type<sc_vector_subcore>, window_params = [{transform_indices = #map}, {transform_indices = #map}, {transform_indices = #map}, {transform_indices = #map}]} {
    %mul3A = arith.constant 2 : i32
    %mul3A_0 = arith.muli %arg1, %mul3A : i32
    %add3A = arith.addi %mul3A_0, %arg0 : i32
    %jit3A = arith.constant 8 : i32
    %div3A = arith.divsi %add3A, %jit3A : i32
    %sign3A = arith.constant 0 : i32
    %sign3A_1 = arith.cmpi sgt, %add3A, %sign3A : i32
    %sign3A_2 = arith.extui %sign3A_1 : i1 to i32
    %sign3A_3 = arith.constant 0 : i32
    %sign3A_4 = arith.cmpi slt, %add3A, %sign3A_3 : i32
    %sign3A_5 = arith.extui %sign3A_4 : i1 to i32
    %sign3A_6 = arith.subi %sign3A_2, %sign3A_5 : i32
    %sign3A_7 = arith.constant 0 : i32
    %sign3A_8 = arith.cmpi sgt, %jit3A, %sign3A_7 : i32
    %sign3A_9 = arith.extui %sign3A_8 : i1 to i32
    %sign3A_10 = arith.constant 0 : i32
    %sign3A_11 = arith.cmpi slt, %jit3A, %sign3A_10 : i32
    %sign3A_12 = arith.extui %sign3A_11 : i1 to i32
    %sign3A_13 = arith.subi %sign3A_9, %sign3A_12 : i32
    %ne3A = arith.cmpi ne, %sign3A_6, %sign3A_13 : i32
    %rem3A = arith.remsi %add3A, %jit3A : i32
    %ne3A_14 = arith.constant 0 : i32
    %ne3A_15 = arith.cmpi ne, %rem3A, %ne3A_14 : i32
    %and3A = arith.andi %ne3A, %ne3A_15 : i1
    %sub3A = arith.constant 1 : i32
    %sub3A_16 = arith.subi %div3A, %sub3A : i32
    %select_n3A = arith.select %and3A, %sub3A_16, %div3A : i32
    %jit3A_17 = arith.constant 8 : i32
    %eq3A = arith.constant 0 : i32
    %eq3A_18 = arith.cmpi eq, %jit3A_17, %eq3A : i32
    %jit3A_19 = arith.constant 1 : i32
    %select_n3A_20 = arith.select %eq3A_18, %jit3A_19, %jit3A_17 : i32
    %rem3A_21 = arith.remsi %add3A, %select_n3A_20 : i32
    %ne3A_22 = arith.constant 0 : i32
    %ne3A_23 = arith.cmpi ne, %rem3A_21, %ne3A_22 : i32
    %lt3A = arith.constant 0 : i32
    %lt3A_24 = arith.cmpi slt, %rem3A_21, %lt3A : i32
    %lt3A_25 = arith.constant 0 : i32
    %lt3A_26 = arith.cmpi slt, %select_n3A_20, %lt3A_25 : i32
    %ne3A_27 = arith.xori %lt3A_24, %lt3A_26 : i1
    %and3A_28 = arith.andi %ne3A_27, %ne3A_23 : i1
    %add3A_29 = arith.addi %rem3A_21, %select_n3A_20 : i32
    %select_n3A_30 = arith.select %and3A_28, %add3A_29, %rem3A_21 : i32
    %mul3A_31 = arith.constant 224 : i32
    %mul3A_32 = arith.muli %select_n3A_30, %mul3A_31 : i32
    %mul3A_33 = arith.constant 3 : i32
    %mul3A_34 = arith.muli %select_n3A, %mul3A_33 : i32
    %add3A_35 = arith.constant 0 : i32
    %add3A_36 = arith.addi %mul3A_34, %add3A_35 : i32
    %mul3A_37 = arith.constant 2048 : i32
    %mul3A_38 = arith.muli %add3A_36, %mul3A_37 : i32
    "tpu.region"() ({
      %run_scoped3A = tpu.sem_alloc : memref<!tpu.dma_semaphore, #tpu.memory_space<semaphore_mem>>
      %dma_start3A = tpu.memref_slice %arg2[%mul3A_38] : memref<24576xf32, #tpu.memory_space<hbm>> -> memref<2048xf32, #tpu.memory_space<hbm>>
      %dma_start3A_75 = tpu.memref_slice %arg2[%mul3A_38] : memref<24576xf32, #tpu.memory_space<hbm>> -> memref<2048xf32, #tpu.memory_space<hbm>>
      tpu.enqueue_dma source(%dma_start3A_75 : memref<2048xf32, #tpu.memory_space<hbm>>) target(%arg6 : memref<2048xf32, #tpu.memory_space<vmem>>) target_semaphore(%run_scoped3A : memref<!tpu.dma_semaphore, #tpu.memory_space<semaphore_mem>>)
      %dma_wait3A = tpu.memref_slice %arg2[%mul3A_38] : memref<24576xf32, #tpu.memory_space<hbm>> -> memref<2048xf32, #tpu.memory_space<hbm>>
      %dma_wait3A_76 = tpu.memref_slice %arg2[%mul3A_38] : memref<24576xf32, #tpu.memory_space<hbm>> -> memref<2048xf32, #tpu.memory_space<hbm>>
      tpu.wait_dma2 semaphore(%run_scoped3A : memref<!tpu.dma_semaphore, #tpu.memory_space<semaphore_mem>>) src(%dma_wait3A_76 : memref<2048xf32, #tpu.memory_space<hbm>>) dst(%arg6 : memref<2048xf32, #tpu.memory_space<vmem>>)
      tpu.yield
    }) : () -> ()
    %mul3A_39 = arith.constant 3 : i32
    %mul3A_40 = arith.muli %select_n3A, %mul3A_39 : i32
    %add3A_41 = arith.constant 1 : i32
    %add3A_42 = arith.addi %mul3A_40, %add3A_41 : i32
    %mul3A_43 = arith.constant 2048 : i32
    %mul3A_44 = arith.muli %add3A_42, %mul3A_43 : i32
    "tpu.region"() ({
      %run_scoped3A = tpu.sem_alloc : memref<!tpu.dma_semaphore, #tpu.memory_space<semaphore_mem>>
      %dma_start3A = tpu.memref_slice %arg2[%mul3A_44] : memref<24576xf32, #tpu.memory_space<hbm>> -> memref<2048xf32, #tpu.memory_space<hbm>>
      %dma_start3A_75 = tpu.memref_slice %arg2[%mul3A_44] : memref<24576xf32, #tpu.memory_space<hbm>> -> memref<2048xf32, #tpu.memory_space<hbm>>
      tpu.enqueue_dma source(%dma_start3A_75 : memref<2048xf32, #tpu.memory_space<hbm>>) target(%arg7 : memref<2048xf32, #tpu.memory_space<vmem>>) target_semaphore(%run_scoped3A : memref<!tpu.dma_semaphore, #tpu.memory_space<semaphore_mem>>)
      %dma_wait3A = tpu.memref_slice %arg2[%mul3A_44] : memref<24576xf32, #tpu.memory_space<hbm>> -> memref<2048xf32, #tpu.memory_space<hbm>>
      %dma_wait3A_76 = tpu.memref_slice %arg2[%mul3A_44] : memref<24576xf32, #tpu.memory_space<hbm>> -> memref<2048xf32, #tpu.memory_space<hbm>>
      tpu.wait_dma2 semaphore(%run_scoped3A : memref<!tpu.dma_semaphore, #tpu.memory_space<semaphore_mem>>) src(%dma_wait3A_76 : memref<2048xf32, #tpu.memory_space<hbm>>) dst(%arg7 : memref<2048xf32, #tpu.memory_space<vmem>>)
      tpu.yield
    }) : () -> ()
    %mul3A_45 = arith.constant 3 : i32
    %mul3A_46 = arith.muli %select_n3A, %mul3A_45 : i32
    %add3A_47 = arith.constant 2 : i32
    %add3A_48 = arith.addi %mul3A_46, %add3A_47 : i32
    %mul3A_49 = arith.constant 2048 : i32
    %mul3A_50 = arith.muli %add3A_48, %mul3A_49 : i32
    "tpu.region"() ({
      %run_scoped3A = tpu.sem_alloc : memref<!tpu.dma_semaphore, #tpu.memory_space<semaphore_mem>>
      %dma_start3A = tpu.memref_slice %arg2[%mul3A_50] : memref<24576xf32, #tpu.memory_space<hbm>> -> memref<2048xf32, #tpu.memory_space<hbm>>
      %dma_start3A_75 = tpu.memref_slice %arg2[%mul3A_50] : memref<24576xf32, #tpu.memory_space<hbm>> -> memref<2048xf32, #tpu.memory_space<hbm>>
      tpu.enqueue_dma source(%dma_start3A_75 : memref<2048xf32, #tpu.memory_space<hbm>>) target(%arg8 : memref<2048xf32, #tpu.memory_space<vmem>>) target_semaphore(%run_scoped3A : memref<!tpu.dma_semaphore, #tpu.memory_space<semaphore_mem>>)
      %dma_wait3A = tpu.memref_slice %arg2[%mul3A_50] : memref<24576xf32, #tpu.memory_space<hbm>> -> memref<2048xf32, #tpu.memory_space<hbm>>
      %dma_wait3A_76 = tpu.memref_slice %arg2[%mul3A_50] : memref<24576xf32, #tpu.memory_space<hbm>> -> memref<2048xf32, #tpu.memory_space<hbm>>
      tpu.wait_dma2 semaphore(%run_scoped3A : memref<!tpu.dma_semaphore, #tpu.memory_space<semaphore_mem>>) src(%dma_wait3A_76 : memref<2048xf32, #tpu.memory_space<hbm>>) dst(%arg8 : memref<2048xf32, #tpu.memory_space<vmem>>)
      tpu.yield
    }) : () -> ()
    "tpu.region"() ({
      %run_scoped3A = tpu.sem_alloc : memref<!tpu.dma_semaphore, #tpu.memory_space<semaphore_mem>>
      tpu.enqueue_dma source(%arg3 : memref<256xi32, #tpu.memory_space<hbm>>) target(%arg9 : memref<256xi32, #tpu.memory_space<vmem>>) target_semaphore(%run_scoped3A : memref<!tpu.dma_semaphore, #tpu.memory_space<semaphore_mem>>)
      tpu.wait_dma2 semaphore(%run_scoped3A : memref<!tpu.dma_semaphore, #tpu.memory_space<semaphore_mem>>) src(%arg3 : memref<256xi32, #tpu.memory_space<hbm>>) dst(%arg9 : memref<256xi32, #tpu.memory_space<vmem>>)
      tpu.yield
    }) : () -> ()
    "tpu.region"() ({
      %run_scoped3A = tpu.sem_alloc : memref<!tpu.dma_semaphore, #tpu.memory_space<semaphore_mem>>
      tpu.enqueue_dma source(%arg4 : memref<256xf32, #tpu.memory_space<hbm>>) target(%arg10 : memref<256xf32, #tpu.memory_space<vmem>>) target_semaphore(%run_scoped3A : memref<!tpu.dma_semaphore, #tpu.memory_space<semaphore_mem>>)
      tpu.wait_dma2 semaphore(%run_scoped3A : memref<!tpu.dma_semaphore, #tpu.memory_space<semaphore_mem>>) src(%arg4 : memref<256xf32, #tpu.memory_space<hbm>>) dst(%arg10 : memref<256xf32, #tpu.memory_space<vmem>>)
      tpu.yield
    }) : () -> ()
    %broadcast_in_dim3A = arith.constant 0.000000e+00 : f32
    %broadcast_in_dim3A_51 = vector.broadcast %broadcast_in_dim3A : f32 to vector<16xf32>
    %scan3A = arith.constant 0 : i32
    %scan3A_52 = arith.constant 0 : i32
    %scan3A_53 = arith.constant 224 : i32
    %scan3A_54 = arith.addi %scan3A_52, %scan3A_53 : i32
    %scan3A_55 = arith.constant 1 : i32
    scf.for %scan3A_75 = %scan3A_52 to %scan3A_54 step %scan3A_55  : i32 {
      %mul3A_76 = arith.constant 16 : i32
      %mul3A_77 = arith.muli %scan3A_75, %mul3A_76 : i32
      %swap3A = arith.index_cast %mul3A_77 : i32 to index
      %swap3A_78 = tpu.vector_load %arg11[%swap3A] {strides = array<i32>} : memref<3584xf32, #tpu.memory_space<vmem>>, vector<16xf32>,
      tpu.vector_store %arg11[%swap3A], %broadcast_in_dim3A_51 {strides = array<i32>} : memref<3584xf32, #tpu.memory_space<vmem>>, vector<16xf32>,
      %mul3A_79 = arith.constant 16 : i32
      %mul3A_80 = arith.muli %scan3A_75, %mul3A_79 : i32
      %swap3A_81 = arith.index_cast %mul3A_80 : i32 to index
      %swap3A_82 = tpu.vector_load %arg12[%swap3A_81] {strides = array<i32>} : memref<3584xf32, #tpu.memory_space<vmem>>, vector<16xf32>,
      tpu.vector_store %arg12[%swap3A_81], %broadcast_in_dim3A_51 {strides = array<i32>} : memref<3584xf32, #tpu.memory_space<vmem>>, vector<16xf32>,
      %mul3A_83 = arith.constant 16 : i32
      %mul3A_84 = arith.muli %scan3A_75, %mul3A_83 : i32
      %swap3A_85 = arith.index_cast %mul3A_84 : i32 to index
      %swap3A_86 = tpu.vector_load %arg13[%swap3A_85] {strides = array<i32>} : memref<3584xf32, #tpu.memory_space<vmem>>, vector<16xf32>,
      tpu.vector_store %arg13[%swap3A_85], %broadcast_in_dim3A_51 {strides = array<i32>} : memref<3584xf32, #tpu.memory_space<vmem>>, vector<16xf32>,
      %mul3A_87 = arith.constant 16 : i32
      %mul3A_88 = arith.muli %scan3A_75, %mul3A_87 : i32
      %swap3A_89 = arith.index_cast %mul3A_88 : i32 to index
      %swap3A_90 = tpu.vector_load %arg14[%swap3A_89] {strides = array<i32>} : memref<3584xf32, #tpu.memory_space<vmem>>, vector<16xf32>,
      tpu.vector_store %arg14[%swap3A_89], %broadcast_in_dim3A_51 {strides = array<i32>} : memref<3584xf32, #tpu.memory_space<vmem>>, vector<16xf32>,
    }
    %scan3A_56 = arith.constant 224 : i32
    %iota3A = tpu.iota {dimensions = array<i32: 0>} : vector<16xi32>
    %broadcast_in_dim3A_57 = arith.constant 1.000000e+00 : f32
    %broadcast_in_dim3A_58 = vector.broadcast %broadcast_in_dim3A_57 : f32 to vector<16xf32>
    %scan3A_59 = arith.constant 0 : i32
    %scan3A_60 = arith.constant 0 : i32
    %scan3A_61 = arith.constant 14 : i32
    %scan3A_62 = arith.addi %scan3A_60, %scan3A_61 : i32
    %scan3A_63 = arith.constant 1 : i32
    scf.for %scan3A_75 = %scan3A_60 to %scan3A_62 step %scan3A_63  : i32 {
      %mul3A_76 = arith.constant 16 : i32
      %mul3A_77 = arith.muli %scan3A_75, %mul3A_76 : i32
      %add3A_78 = arith.addi %mul3A_32, %mul3A_77 : i32
      %get3A = arith.index_cast %add3A_78 : i32 to index
      %get3A_79 = tpu.vector_load %arg6[%get3A] {strides = array<i32>} : memref<2048xf32, #tpu.memory_space<vmem>>, vector<16xf32>,
      %get3A_80 = arith.index_cast %add3A_78 : i32 to index
      %get3A_81 = tpu.vector_load %arg7[%get3A_80] {strides = array<i32>} : memref<2048xf32, #tpu.memory_space<vmem>>, vector<16xf32>,
      %get3A_82 = arith.index_cast %add3A_78 : i32 to index
      %get3A_83 = tpu.vector_load %arg8[%get3A_82] {strides = array<i32>} : memref<2048xf32, #tpu.memory_space<vmem>>, vector<16xf32>,
      %mul3A_84 = arith.constant 16 : i32
      %mul3A_85 = arith.muli %scan3A_75, %mul3A_84 : i32
      %add3A_86 = vector.broadcast %mul3A_85 : i32 to vector<16xi32>
      %add3A_87 = arith.addi %add3A_86, %iota3A : vector<16xi32>
      %mul3A_88 = arith.constant 16 : i32
      %mul3A_89 = vector.broadcast %mul3A_88 : i32 to vector<16xi32>
      %mul3A_90 = arith.muli %add3A_87, %mul3A_89 : vector<16xi32>
    }
    %scan3A_64 = arith.constant 14 : i32
    %scan3A_65 = arith.constant 0 : i32
    %scan3A_66 = arith.constant 0 : i32
    %scan3A_67 = arith.constant 224 : i32
    %scan3A_68 = arith.addi %scan3A_66, %scan3A_67 : i32
    %scan3A_69 = arith.constant 1 : i32
    scf.for %scan3A_75 = %scan3A_66 to %scan3A_68 step %scan3A_69  : i32 {
      %mul3A_76 = arith.constant 16 : i32
      %mul3A_77 = arith.muli %scan3A_75, %mul3A_76 : i32
      %get3A = arith.index_cast %mul3A_77 : i32 to index
      %get3A_78 = tpu.vector_load %arg11[%get3A] {strides = array<i32>} : memref<3584xf32, #tpu.memory_space<vmem>>, vector<16xf32>,
      %get3A_79 = arith.index_cast %mul3A_77 : i32 to index
      %get3A_80 = tpu.vector_load %arg12[%get3A_79] {strides = array<i32>} : memref<3584xf32, #tpu.memory_space<vmem>>, vector<16xf32>,
      %add3A_81 = arith.addf %get3A_78, %get3A_80 : vector<16xf32>
      %get3A_82 = arith.index_cast %mul3A_77 : i32 to index
      %get3A_83 = tpu.vector_load %arg13[%get3A_82] {strides = array<i32>} : memref<3584xf32, #tpu.memory_space<vmem>>, vector<16xf32>,
      %get3A_84 = arith.index_cast %mul3A_77 : i32 to index
      %get3A_85 = tpu.vector_load %arg14[%get3A_84] {strides = array<i32>} : memref<3584xf32, #tpu.memory_space<vmem>>, vector<16xf32>,
      %add3A_86 = arith.addf %get3A_83, %get3A_85 : vector<16xf32>
      %add3A_87 = arith.addf %add3A_81, %add3A_86 : vector<16xf32>
      %swap3A = arith.index_cast %mul3A_77 : i32 to index
      %swap3A_88 = tpu.vector_load %arg11[%swap3A] {strides = array<i32>} : memref<3584xf32, #tpu.memory_space<vmem>>, vector<16xf32>,
      tpu.vector_store %arg11[%swap3A], %add3A_87 {strides = array<i32>} : memref<3584xf32, #tpu.memory_space<vmem>>, vector<16xf32>,
    }
    %scan3A_70 = arith.constant 224 : i32
    %mul3A_71 = arith.constant 224 : i32
    %mul3A_72 = arith.muli %add3A, %mul3A_71 : i32
    %mul3A_73 = arith.constant 16 : i32
    %mul3A_74 = arith.muli %mul3A_72, %mul3A_73 : i32
    "tpu.region"() ({
      %run_scoped3A = tpu.sem_alloc : memref<!tpu.dma_semaphore, #tpu.memory_space<semaphore_mem>>
      %dma_start3A = tpu.memref_slice %arg5[%mul3A_74] : memref<114688xf32, #tpu.memory_space<hbm>> -> memref<3584xf32, #tpu.memory_space<hbm>>
      %dma_start3A_75 = tpu.memref_slice %arg5[%mul3A_74] : memref<114688xf32, #tpu.memory_space<hbm>> -> memref<3584xf32, #tpu.memory_space<hbm>>
      tpu.enqueue_dma source(%arg11 : memref<3584xf32, #tpu.memory_space<vmem>>) target(%dma_start3A_75 : memref<3584xf32, #tpu.memory_space<hbm>>) target_semaphore(%run_scoped3A : memref<!tpu.dma_semaphore, #tpu.memory_space<semaphore_mem>>)
      %dma_wait3A = tpu.memref_slice %arg5[%mul3A_74] : memref<114688xf32, #tpu.memory_space<hbm>> -> memref<3584xf32, #tpu.memory_space<hbm>>
      %dma_wait3A_76 = tpu.memref_slice %arg5[%mul3A_74] : memref<114688xf32, #tpu.memory_space<hbm>> -> memref<3584xf32, #tpu.memory_space<hbm>>
      tpu.wait_dma2 semaphore(%run_scoped3A : memref<!tpu.dma_semaphore, #tpu.memory_space<semaphore_mem>>) src(%arg11 : memref<3584xf32, #tpu.memory_space<vmem>>) dst(%dma_wait3A_76 : memref<3584xf32, #tpu.memory_space<hbm>>)
      tpu.yield
    }) : () -> ()
    return
  }
}

module attributes {stable_mosaic.version = 14 : i64} {
  func.func @_tc_hist_body(%arg0: i32, %arg1: i32, %arg2: memref<1x128x3xf32, #tpu.memory_space<vmem>>, %arg3: memref<1x3x2048xf32, #tpu.memory_space<vmem>>, %arg4: memref<128x16xf32, #tpu.memory_space<vmem>>) attributes {dimension_semantics = [#tpu.dimension_semantics<arbitrary>, #tpu.dimension_semantics<arbitrary>], iteration_bounds = array<i64: 4, 2>, scalar_prefetch = 0 : i64, scratch_operands = 0 : i64, tpu.core_type = #tpu.core_type<tc>, window_params = [{transform_indices = @transform_0, window_bounds = array<i64: 1, 128, 3>}, {transform_indices = @transform_1, window_bounds = array<i64: 1, 3, 2048>}, {transform_indices = @transform_2, window_bounds = array<i64: 128, 16>}]} {
    %get3A = arith.constant 0 : index
    %get3A_0 = arith.constant 0 : index
    %get3A_1 = arith.constant 0 : index
    %get3A_2 = vector.load %arg2[%get3A, %get3A_0, %get3A_1] : memref<1x128x3xf32, #tpu.memory_space<vmem>>, vector<1x128x1xf32>
    %get3A_3 = vector.shape_cast %get3A_2 : vector<1x128x1xf32> to vector<128x1xf32>
    %get3A_4 = arith.constant 0 : index
    %get3A_5 = arith.constant 0 : index
    %get3A_6 = arith.constant 0 : index
    %get3A_7 = vector.load %arg3[%get3A_4, %get3A_5, %get3A_6] : memref<1x3x2048xf32, #tpu.memory_space<vmem>>, vector<1x1x2048xf32>
    %get3A_8 = vector.shape_cast %get3A_7 : vector<1x1x2048xf32> to vector<1x2048xf32>
    %sub3A = vector.broadcast %get3A_3 : vector<128x1xf32> to vector<128x2048xf32>
    %sub3A_9 = vector.broadcast %get3A_8 : vector<1x2048xf32> to vector<128x2048xf32>
    %sub3A_10 = arith.subf %sub3A, %sub3A_9 : vector<128x2048xf32>
    %mul3A = arith.mulf %sub3A_10, %sub3A_10 : vector<128x2048xf32>
    %get3A_11 = arith.constant 0 : index
    %get3A_12 = arith.constant 0 : index
    %get3A_13 = arith.constant 1 : index
    %get3A_14 = vector.load %arg2[%get3A_11, %get3A_12, %get3A_13] : memref<1x128x3xf32, #tpu.memory_space<vmem>>, vector<1x128x1xf32>
    %get3A_15 = vector.shape_cast %get3A_14 : vector<1x128x1xf32> to vector<128x1xf32>
    %get3A_16 = arith.constant 0 : index
    %get3A_17 = arith.constant 1 : index
    %get3A_18 = arith.constant 0 : index
    %get3A_19 = vector.load %arg3[%get3A_16, %get3A_17, %get3A_18] : memref<1x3x2048xf32, #tpu.memory_space<vmem>>, vector<1x1x2048xf32>
    %get3A_20 = vector.shape_cast %get3A_19 : vector<1x1x2048xf32> to vector<1x2048xf32>
    %sub3A_21 = vector.broadcast %get3A_15 : vector<128x1xf32> to vector<128x2048xf32>
    %sub3A_22 = vector.broadcast %get3A_20 : vector<1x2048xf32> to vector<128x2048xf32>
    %sub3A_23 = arith.subf %sub3A_21, %sub3A_22 : vector<128x2048xf32>
    %mul3A_24 = arith.mulf %sub3A_23, %sub3A_23 : vector<128x2048xf32>
    %add3A = arith.addf %mul3A, %mul3A_24 : vector<128x2048xf32>
    %get3A_25 = arith.constant 0 : index
    %get3A_26 = arith.constant 0 : index
    %get3A_27 = arith.constant 2 : index
    %get3A_28 = vector.load %arg2[%get3A_25, %get3A_26, %get3A_27] : memref<1x128x3xf32, #tpu.memory_space<vmem>>, vector<1x128x1xf32>
    %get3A_29 = vector.shape_cast %get3A_28 : vector<1x128x1xf32> to vector<128x1xf32>
    %get3A_30 = arith.constant 0 : index
    %get3A_31 = arith.constant 2 : index
    %get3A_32 = arith.constant 0 : index
    %get3A_33 = vector.load %arg3[%get3A_30, %get3A_31, %get3A_32] : memref<1x3x2048xf32, #tpu.memory_space<vmem>>, vector<1x1x2048xf32>
    %get3A_34 = vector.shape_cast %get3A_33 : vector<1x1x2048xf32> to vector<1x2048xf32>
    %sub3A_35 = vector.broadcast %get3A_29 : vector<128x1xf32> to vector<128x2048xf32>
    %sub3A_36 = vector.broadcast %get3A_34 : vector<1x2048xf32> to vector<128x2048xf32>
    %sub3A_37 = arith.subf %sub3A_35, %sub3A_36 : vector<128x2048xf32>
    %mul3A_38 = arith.mulf %sub3A_37, %sub3A_37 : vector<128x2048xf32>
    %add3A_39 = arith.addf %add3A, %mul3A_38 : vector<128x2048xf32>
    %ge3A = arith.constant 1.000000e+00 : f32
    %ge3A_40 = vector.broadcast %ge3A : f32 to vector<128x2048xf32>
    %ge3A_41 = arith.cmpf oge, %add3A_39, %ge3A_40 : vector<128x2048xf32>
    %jit3A = arith.constant 1.000000e+00 : f32
    %jit3A_42 = arith.constant 0.000000e+00 : f32
    %broadcast_in_dim3A = vector.broadcast %jit3A : f32 to vector<128x2048xf32>
    %broadcast_in_dim3A_43 = vector.broadcast %jit3A_42 : f32 to vector<128x2048xf32>
    %select_n3A = arith.select %ge3A_41, %broadcast_in_dim3A, %broadcast_in_dim3A_43 : vector<128x2048xi1>, vector<128x2048xf32>
    %reduce_sum3A = arith.constant dense<0.000000e+00> : vector<128xf32>
    %reduce_sum3A_44 = vector.multi_reduction <add>, %select_n3A, %reduce_sum3A [1] : vector<128x2048xf32> to vector<128xf32>
    %broadcast_in_dim3A_45 = vector.shape_cast %reduce_sum3A_44 : vector<128xf32> to vector<128x1xf32>
    %ge3A_46 = arith.constant 35.2539063 : f32
    %ge3A_47 = vector.broadcast %ge3A_46 : f32 to vector<128x2048xf32>
    %ge3A_48 = arith.cmpf oge, %add3A_39, %ge3A_47 : vector<128x2048xf32>
    %jit3A_49 = arith.constant 1.000000e+00 : f32
    %jit3A_50 = arith.constant 0.000000e+00 : f32
    %broadcast_in_dim3A_51 = vector.broadcast %jit3A_49 : f32 to vector<128x2048xf32>
    %broadcast_in_dim3A_52 = vector.broadcast %jit3A_50 : f32 to vector<128x2048xf32>
    %select_n3A_53 = arith.select %ge3A_48, %broadcast_in_dim3A_51, %broadcast_in_dim3A_52 : vector<128x2048xi1>, vector<128x2048xf32>
    %reduce_sum3A_54 = arith.constant dense<0.000000e+00> : vector<128xf32>
    %reduce_sum3A_55 = vector.multi_reduction <add>, %select_n3A_53, %reduce_sum3A_54 [1] : vector<128x2048xf32> to vector<128xf32>
    %broadcast_in_dim3A_56 = vector.shape_cast %reduce_sum3A_55 : vector<128xf32> to vector<128x1xf32>
    %ge3A_57 = arith.constant 118.265625 : f32
    %ge3A_58 = vector.broadcast %ge3A_57 : f32 to vector<128x2048xf32>
    %ge3A_59 = arith.cmpf oge, %add3A_39, %ge3A_58 : vector<128x2048xf32>
    %jit3A_60 = arith.constant 1.000000e+00 : f32
    %jit3A_61 = arith.constant 0.000000e+00 : f32
    %broadcast_in_dim3A_62 = vector.broadcast %jit3A_60 : f32 to vector<128x2048xf32>
    %broadcast_in_dim3A_63 = vector.broadcast %jit3A_61 : f32 to vector<128x2048xf32>
    %select_n3A_64 = arith.select %ge3A_59, %broadcast_in_dim3A_62, %broadcast_in_dim3A_63 : vector<128x2048xi1>, vector<128x2048xf32>
    %reduce_sum3A_65 = arith.constant dense<0.000000e+00> : vector<128xf32>
    %reduce_sum3A_66 = vector.multi_reduction <add>, %select_n3A_64, %reduce_sum3A_65 [1] : vector<128x2048xf32> to vector<128xf32>
    %broadcast_in_dim3A_67 = vector.shape_cast %reduce_sum3A_66 : vector<128xf32> to vector<128x1xf32>
    %ge3A_68 = arith.constant 250.035156 : f32
    %ge3A_69 = vector.broadcast %ge3A_68 : f32 to vector<128x2048xf32>
    %ge3A_70 = arith.cmpf oge, %add3A_39, %ge3A_69 : vector<128x2048xf32>
    %jit3A_71 = arith.constant 1.000000e+00 : f32
    %jit3A_72 = arith.constant 0.000000e+00 : f32
    %broadcast_in_dim3A_73 = vector.broadcast %jit3A_71 : f32 to vector<128x2048xf32>
    %broadcast_in_dim3A_74 = vector.broadcast %jit3A_72 : f32 to vector<128x2048xf32>
    %select_n3A_75 = arith.select %ge3A_70, %broadcast_in_dim3A_73, %broadcast_in_dim3A_74 : vector<128x2048xi1>, vector<128x2048xf32>
    %reduce_sum3A_76 = arith.constant dense<0.000000e+00> : vector<128xf32>
    %reduce_sum3A_77 = vector.multi_reduction <add>, %select_n3A_75, %reduce_sum3A_76 [1] : vector<128x2048xf32> to vector<128xf32>
    %broadcast_in_dim3A_78 = vector.shape_cast %reduce_sum3A_77 : vector<128xf32> to vector<128x1xf32>
    %ge3A_79 = arith.constant 430.5625 : f32
    %ge3A_80 = vector.broadcast %ge3A_79 : f32 to vector<128x2048xf32>
    %ge3A_81 = arith.cmpf oge, %add3A_39, %ge3A_80 : vector<128x2048xf32>
    %jit3A_82 = arith.constant 1.000000e+00 : f32
    %jit3A_83 = arith.constant 0.000000e+00 : f32
    %broadcast_in_dim3A_84 = vector.broadcast %jit3A_82 : f32 to vector<128x2048xf32>
    %broadcast_in_dim3A_85 = vector.broadcast %jit3A_83 : f32 to vector<128x2048xf32>
    %select_n3A_86 = arith.select %ge3A_81, %broadcast_in_dim3A_84, %broadcast_in_dim3A_85 : vector<128x2048xi1>, vector<128x2048xf32>
    %reduce_sum3A_87 = arith.constant dense<0.000000e+00> : vector<128xf32>
    %reduce_sum3A_88 = vector.multi_reduction <add>, %select_n3A_86, %reduce_sum3A_87 [1] : vector<128x2048xf32> to vector<128xf32>
    %broadcast_in_dim3A_89 = vector.shape_cast %reduce_sum3A_88 : vector<128xf32> to vector<128x1xf32>
    %ge3A_90 = arith.constant 659.847656 : f32
    %ge3A_91 = vector.broadcast %ge3A_90 : f32 to vector<128x2048xf32>
    %ge3A_92 = arith.cmpf oge, %add3A_39, %ge3A_91 : vector<128x2048xf32>
    %jit3A_93 = arith.constant 1.000000e+00 : f32
    %jit3A_94 = arith.constant 0.000000e+00 : f32
    %broadcast_in_dim3A_95 = vector.broadcast %jit3A_93 : f32 to vector<128x2048xf32>
    %broadcast_in_dim3A_96 = vector.broadcast %jit3A_94 : f32 to vector<128x2048xf32>
    %select_n3A_97 = arith.select %ge3A_92, %broadcast_in_dim3A_95, %broadcast_in_dim3A_96 : vector<128x2048xi1>, vector<128x2048xf32>
    %reduce_sum3A_98 = arith.constant dense<0.000000e+00> : vector<128xf32>
    %reduce_sum3A_99 = vector.multi_reduction <add>, %select_n3A_97, %reduce_sum3A_98 [1] : vector<128x2048xf32> to vector<128xf32>
    %broadcast_in_dim3A_100 = vector.shape_cast %reduce_sum3A_99 : vector<128xf32> to vector<128x1xf32>
    %ge3A_101 = arith.constant 937.890625 : f32
    %ge3A_102 = vector.broadcast %ge3A_101 : f32 to vector<128x2048xf32>
    %ge3A_103 = arith.cmpf oge, %add3A_39, %ge3A_102 : vector<128x2048xf32>
    %jit3A_104 = arith.constant 1.000000e+00 : f32
    %jit3A_105 = arith.constant 0.000000e+00 : f32
    %broadcast_in_dim3A_106 = vector.broadcast %jit3A_104 : f32 to vector<128x2048xf32>
    %broadcast_in_dim3A_107 = vector.broadcast %jit3A_105 : f32 to vector<128x2048xf32>
    %select_n3A_108 = arith.select %ge3A_103, %broadcast_in_dim3A_106, %broadcast_in_dim3A_107 : vector<128x2048xi1>, vector<128x2048xf32>
    %reduce_sum3A_109 = arith.constant dense<0.000000e+00> : vector<128xf32>
    %reduce_sum3A_110 = vector.multi_reduction <add>, %select_n3A_108, %reduce_sum3A_109 [1] : vector<128x2048xf32> to vector<128xf32>
    %broadcast_in_dim3A_111 = vector.shape_cast %reduce_sum3A_110 : vector<128xf32> to vector<128x1xf32>
    %ge3A_112 = arith.constant 1264.69141 : f32
    %ge3A_113 = vector.broadcast %ge3A_112 : f32 to vector<128x2048xf32>
    %ge3A_114 = arith.cmpf oge, %add3A_39, %ge3A_113 : vector<128x2048xf32>
    %jit3A_115 = arith.constant 1.000000e+00 : f32
    %jit3A_116 = arith.constant 0.000000e+00 : f32
    %broadcast_in_dim3A_117 = vector.broadcast %jit3A_115 : f32 to vector<128x2048xf32>
    %broadcast_in_dim3A_118 = vector.broadcast %jit3A_116 : f32 to vector<128x2048xf32>
    %select_n3A_119 = arith.select %ge3A_114, %broadcast_in_dim3A_117, %broadcast_in_dim3A_118 : vector<128x2048xi1>, vector<128x2048xf32>
    %reduce_sum3A_120 = arith.constant dense<0.000000e+00> : vector<128xf32>
    %reduce_sum3A_121 = vector.multi_reduction <add>, %select_n3A_119, %reduce_sum3A_120 [1] : vector<128x2048xf32> to vector<128xf32>
    %broadcast_in_dim3A_122 = vector.shape_cast %reduce_sum3A_121 : vector<128xf32> to vector<128x1xf32>
    %ge3A_123 = arith.constant 1.640250e+03 : f32
    %ge3A_124 = vector.broadcast %ge3A_123 : f32 to vector<128x2048xf32>
    %ge3A_125 = arith.cmpf oge, %add3A_39, %ge3A_124 : vector<128x2048xf32>
    %jit3A_126 = arith.constant 1.000000e+00 : f32
    %jit3A_127 = arith.constant 0.000000e+00 : f32
    %broadcast_in_dim3A_128 = vector.broadcast %jit3A_126 : f32 to vector<128x2048xf32>
    %broadcast_in_dim3A_129 = vector.broadcast %jit3A_127 : f32 to vector<128x2048xf32>
    %select_n3A_130 = arith.select %ge3A_125, %broadcast_in_dim3A_128, %broadcast_in_dim3A_129 : vector<128x2048xi1>, vector<128x2048xf32>
    %reduce_sum3A_131 = arith.constant dense<0.000000e+00> : vector<128xf32>
    %reduce_sum3A_132 = vector.multi_reduction <add>, %select_n3A_130, %reduce_sum3A_131 [1] : vector<128x2048xf32> to vector<128xf32>
    %broadcast_in_dim3A_133 = vector.shape_cast %reduce_sum3A_132 : vector<128xf32> to vector<128x1xf32>
    %ge3A_134 = arith.constant 2064.56641 : f32
    %ge3A_135 = vector.broadcast %ge3A_134 : f32 to vector<128x2048xf32>
    %ge3A_136 = arith.cmpf oge, %add3A_39, %ge3A_135 : vector<128x2048xf32>
    %jit3A_137 = arith.constant 1.000000e+00 : f32
    %jit3A_138 = arith.constant 0.000000e+00 : f32
    %broadcast_in_dim3A_139 = vector.broadcast %jit3A_137 : f32 to vector<128x2048xf32>
    %broadcast_in_dim3A_140 = vector.broadcast %jit3A_138 : f32 to vector<128x2048xf32>
    %select_n3A_141 = arith.select %ge3A_136, %broadcast_in_dim3A_139, %broadcast_in_dim3A_140 : vector<128x2048xi1>, vector<128x2048xf32>
    %reduce_sum3A_142 = arith.constant dense<0.000000e+00> : vector<128xf32>
    %reduce_sum3A_143 = vector.multi_reduction <add>, %select_n3A_141, %reduce_sum3A_142 [1] : vector<128x2048xf32> to vector<128xf32>
    %broadcast_in_dim3A_144 = vector.shape_cast %reduce_sum3A_143 : vector<128xf32> to vector<128x1xf32>
    %ge3A_145 = arith.constant 2537.64063 : f32
    %ge3A_146 = vector.broadcast %ge3A_145 : f32 to vector<128x2048xf32>
    %ge3A_147 = arith.cmpf oge, %add3A_39, %ge3A_146 : vector<128x2048xf32>
    %jit3A_148 = arith.constant 1.000000e+00 : f32
    %jit3A_149 = arith.constant 0.000000e+00 : f32
    %broadcast_in_dim3A_150 = vector.broadcast %jit3A_148 : f32 to vector<128x2048xf32>
    %broadcast_in_dim3A_151 = vector.broadcast %jit3A_149 : f32 to vector<128x2048xf32>
    %select_n3A_152 = arith.select %ge3A_147, %broadcast_in_dim3A_150, %broadcast_in_dim3A_151 : vector<128x2048xi1>, vector<128x2048xf32>
    %reduce_sum3A_153 = arith.constant dense<0.000000e+00> : vector<128xf32>
    %reduce_sum3A_154 = vector.multi_reduction <add>, %select_n3A_152, %reduce_sum3A_153 [1] : vector<128x2048xf32> to vector<128xf32>
    %broadcast_in_dim3A_155 = vector.shape_cast %reduce_sum3A_154 : vector<128xf32> to vector<128x1xf32>
    %ge3A_156 = arith.constant 3059.47266 : f32
    %ge3A_157 = vector.broadcast %ge3A_156 : f32 to vector<128x2048xf32>
    %ge3A_158 = arith.cmpf oge, %add3A_39, %ge3A_157 : vector<128x2048xf32>
    %jit3A_159 = arith.constant 1.000000e+00 : f32
    %jit3A_160 = arith.constant 0.000000e+00 : f32
    %broadcast_in_dim3A_161 = vector.broadcast %jit3A_159 : f32 to vector<128x2048xf32>
    %broadcast_in_dim3A_162 = vector.broadcast %jit3A_160 : f32 to vector<128x2048xf32>
    %select_n3A_163 = arith.select %ge3A_158, %broadcast_in_dim3A_161, %broadcast_in_dim3A_162 : vector<128x2048xi1>, vector<128x2048xf32>
    %reduce_sum3A_164 = arith.constant dense<0.000000e+00> : vector<128xf32>
    %reduce_sum3A_165 = vector.multi_reduction <add>, %select_n3A_163, %reduce_sum3A_164 [1] : vector<128x2048xf32> to vector<128xf32>
    %broadcast_in_dim3A_166 = vector.shape_cast %reduce_sum3A_165 : vector<128xf32> to vector<128x1xf32>
    %ge3A_167 = arith.constant 3630.0625 : f32
    %ge3A_168 = vector.broadcast %ge3A_167 : f32 to vector<128x2048xf32>
    %ge3A_169 = arith.cmpf oge, %add3A_39, %ge3A_168 : vector<128x2048xf32>
    %jit3A_170 = arith.constant 1.000000e+00 : f32
    %jit3A_171 = arith.constant 0.000000e+00 : f32
    %broadcast_in_dim3A_172 = vector.broadcast %jit3A_170 : f32 to vector<128x2048xf32>
    %broadcast_in_dim3A_173 = vector.broadcast %jit3A_171 : f32 to vector<128x2048xf32>
    %select_n3A_174 = arith.select %ge3A_169, %broadcast_in_dim3A_172, %broadcast_in_dim3A_173 : vector<128x2048xi1>, vector<128x2048xf32>
    %reduce_sum3A_175 = arith.constant dense<0.000000e+00> : vector<128xf32>
    %reduce_sum3A_176 = vector.multi_reduction <add>, %select_n3A_174, %reduce_sum3A_175 [1] : vector<128x2048xf32> to vector<128xf32>
    %broadcast_in_dim3A_177 = vector.shape_cast %reduce_sum3A_176 : vector<128xf32> to vector<128x1xf32>
    %ge3A_178 = arith.constant 4.249410e+03 : f32
    %ge3A_179 = vector.broadcast %ge3A_178 : f32 to vector<128x2048xf32>
    %ge3A_180 = arith.cmpf oge, %add3A_39, %ge3A_179 : vector<128x2048xf32>
    %jit3A_181 = arith.constant 1.000000e+00 : f32
    %jit3A_182 = arith.constant 0.000000e+00 : f32
    %broadcast_in_dim3A_183 = vector.broadcast %jit3A_181 : f32 to vector<128x2048xf32>
    %broadcast_in_dim3A_184 = vector.broadcast %jit3A_182 : f32 to vector<128x2048xf32>
    %select_n3A_185 = arith.select %ge3A_180, %broadcast_in_dim3A_183, %broadcast_in_dim3A_184 : vector<128x2048xi1>, vector<128x2048xf32>
    %reduce_sum3A_186 = arith.constant dense<0.000000e+00> : vector<128xf32>
    %reduce_sum3A_187 = vector.multi_reduction <add>, %select_n3A_185, %reduce_sum3A_186 [1] : vector<128x2048xf32> to vector<128xf32>
    %broadcast_in_dim3A_188 = vector.shape_cast %reduce_sum3A_187 : vector<128xf32> to vector<128x1xf32>
    %ge3A_189 = arith.constant 4917.51563 : f32
    %ge3A_190 = vector.broadcast %ge3A_189 : f32 to vector<128x2048xf32>
    %ge3A_191 = arith.cmpf oge, %add3A_39, %ge3A_190 : vector<128x2048xf32>
    %jit3A_192 = arith.constant 1.000000e+00 : f32
    %jit3A_193 = arith.constant 0.000000e+00 : f32
    %broadcast_in_dim3A_194 = vector.broadcast %jit3A_192 : f32 to vector<128x2048xf32>
    %broadcast_in_dim3A_195 = vector.broadcast %jit3A_193 : f32 to vector<128x2048xf32>
    %select_n3A_196 = arith.select %ge3A_191, %broadcast_in_dim3A_194, %broadcast_in_dim3A_195 : vector<128x2048xi1>, vector<128x2048xf32>
    %reduce_sum3A_197 = arith.constant dense<0.000000e+00> : vector<128xf32>
    %reduce_sum3A_198 = vector.multi_reduction <add>, %select_n3A_196, %reduce_sum3A_197 [1] : vector<128x2048xf32> to vector<128xf32>
    %broadcast_in_dim3A_199 = vector.shape_cast %reduce_sum3A_198 : vector<128xf32> to vector<128x1xf32>
    %ge3A_200 = arith.constant 5634.3789 : f32
    %ge3A_201 = vector.broadcast %ge3A_200 : f32 to vector<128x2048xf32>
    %ge3A_202 = arith.cmpf oge, %add3A_39, %ge3A_201 : vector<128x2048xf32>
    %jit3A_203 = arith.constant 1.000000e+00 : f32
    %jit3A_204 = arith.constant 0.000000e+00 : f32
    %broadcast_in_dim3A_205 = vector.broadcast %jit3A_203 : f32 to vector<128x2048xf32>
    %broadcast_in_dim3A_206 = vector.broadcast %jit3A_204 : f32 to vector<128x2048xf32>
    %select_n3A_207 = arith.select %ge3A_202, %broadcast_in_dim3A_205, %broadcast_in_dim3A_206 : vector<128x2048xi1>, vector<128x2048xf32>
    %reduce_sum3A_208 = arith.constant dense<0.000000e+00> : vector<128xf32>
    %reduce_sum3A_209 = vector.multi_reduction <add>, %select_n3A_207, %reduce_sum3A_208 [1] : vector<128x2048xf32> to vector<128xf32>
    %broadcast_in_dim3A_210 = vector.shape_cast %reduce_sum3A_209 : vector<128xf32> to vector<128x1xf32>
    %gt3A = arith.constant 6.400000e+03 : f32
    %gt3A_211 = vector.broadcast %gt3A : f32 to vector<128x2048xf32>
    %gt3A_212 = arith.cmpf ogt, %add3A_39, %gt3A_211 : vector<128x2048xf32>
    %jit3A_213 = arith.constant 1.000000e+00 : f32
    %jit3A_214 = arith.constant 0.000000e+00 : f32
    %broadcast_in_dim3A_215 = vector.broadcast %jit3A_213 : f32 to vector<128x2048xf32>
    %broadcast_in_dim3A_216 = vector.broadcast %jit3A_214 : f32 to vector<128x2048xf32>
    %select_n3A_217 = arith.select %gt3A_212, %broadcast_in_dim3A_215, %broadcast_in_dim3A_216 : vector<128x2048xi1>, vector<128x2048xf32>
    %reduce_sum3A_218 = arith.constant dense<0.000000e+00> : vector<128xf32>
    %reduce_sum3A_219 = vector.multi_reduction <add>, %select_n3A_217, %reduce_sum3A_218 [1] : vector<128x2048xf32> to vector<128xf32>
    %broadcast_in_dim3A_220 = vector.shape_cast %reduce_sum3A_219 : vector<128xf32> to vector<128x1xf32>
    %sub3A_221 = arith.subf %broadcast_in_dim3A_45, %broadcast_in_dim3A_56 : vector<128x1xf32>
    %sub3A_222 = arith.subf %broadcast_in_dim3A_56, %broadcast_in_dim3A_67 : vector<128x1xf32>
    %sub3A_223 = arith.subf %broadcast_in_dim3A_67, %broadcast_in_dim3A_78 : vector<128x1xf32>
    %sub3A_224 = arith.subf %broadcast_in_dim3A_78, %broadcast_in_dim3A_89 : vector<128x1xf32>
    %sub3A_225 = arith.subf %broadcast_in_dim3A_89, %broadcast_in_dim3A_100 : vector<128x1xf32>
    %sub3A_226 = arith.subf %broadcast_in_dim3A_100, %broadcast_in_dim3A_111 : vector<128x1xf32>
    %sub3A_227 = arith.subf %broadcast_in_dim3A_111, %broadcast_in_dim3A_122 : vector<128x1xf32>
    %sub3A_228 = arith.subf %broadcast_in_dim3A_122, %broadcast_in_dim3A_133 : vector<128x1xf32>
    %sub3A_229 = arith.subf %broadcast_in_dim3A_133, %broadcast_in_dim3A_144 : vector<128x1xf32>
    %sub3A_230 = arith.subf %broadcast_in_dim3A_144, %broadcast_in_dim3A_155 : vector<128x1xf32>
    %sub3A_231 = arith.subf %broadcast_in_dim3A_155, %broadcast_in_dim3A_166 : vector<128x1xf32>
    %sub3A_232 = arith.subf %broadcast_in_dim3A_166, %broadcast_in_dim3A_177 : vector<128x1xf32>
    %sub3A_233 = arith.subf %broadcast_in_dim3A_177, %broadcast_in_dim3A_188 : vector<128x1xf32>
    %sub3A_234 = arith.subf %broadcast_in_dim3A_188, %broadcast_in_dim3A_199 : vector<128x1xf32>
    %sub3A_235 = arith.subf %broadcast_in_dim3A_199, %broadcast_in_dim3A_210 : vector<128x1xf32>
    %sub3A_236 = arith.subf %broadcast_in_dim3A_210, %broadcast_in_dim3A_220 : vector<128x1xf32>
    %concatenate3A = tpu.concatenate %sub3A_221, %sub3A_222, %sub3A_223, %sub3A_224, %sub3A_225, %sub3A_226, %sub3A_227, %sub3A_228, %sub3A_229, %sub3A_230, %sub3A_231, %sub3A_232, %sub3A_233, %sub3A_234, %sub3A_235, %sub3A_236 in 1 : vector<128x1xf32>, vector<128x1xf32>, vector<128x1xf32>, vector<128x1xf32>, vector<128x1xf32>, vector<128x1xf32>, vector<128x1xf32>, vector<128x1xf32>, vector<128x1xf32>, vector<128x1xf32>, vector<128x1xf32>, vector<128x1xf32>, vector<128x1xf32>, vector<128x1xf32>, vector<128x1xf32>, vector<128x1xf32> -> vector<128x16xf32>
    %swap3A = arith.constant 0 : index
    %swap3A_237 = arith.constant 0 : index
    %swap3A_238 = vector.load %arg4[%swap3A, %swap3A_237] : memref<128x16xf32, #tpu.memory_space<vmem>>, vector<128x16xf32>
    tpu.vector_store %arg4[%swap3A, %swap3A_237], %concatenate3A {strides = array<i32>} : memref<128x16xf32, #tpu.memory_space<vmem>>, vector<128x16xf32>,
    return
  }
  func.func @transform_0(%arg0: i32, %arg1: i32) -> (i32, i32, i32) {
    %add3A = arith.constant 14 : i32
    %add3A_0 = arith.addi %add3A, %arg1 : i32
    %c0_i32 = arith.constant 0 : i32
    %c0_i32_1 = arith.constant 0 : i32
    return %arg0, %add3A_0, %c0_i32 : i32, i32, i32
  }
  func.func @transform_1(%arg0: i32, %arg1: i32) -> (i32, i32, i32) {
    %c0_i32 = arith.constant 0 : i32
    %c0_i32_0 = arith.constant 0 : i32
    %c0_i32_1 = arith.constant 0 : i32
    return %arg0, %c0_i32, %c0_i32_0 : i32, i32, i32
  }
  func.func @transform_2(%arg0: i32, %arg1: i32) -> (i32, i32) {
    %mul3A = arith.constant 2 : i32
    %mul3A_0 = arith.muli %arg0, %mul3A : i32
    %add3A = arith.addi %mul3A_0, %arg1 : i32
    %c0_i32 = arith.constant 0 : i32
    %c0_i32_1 = arith.constant 0 : i32
    return %add3A, %c0_i32 : i32, i32
  }
}

module attributes {stable_mosaic.version = 14 : i64} {
  func.func @_mlp_body(%arg0: memref<4x1792x16xf32, #tpu.memory_space<vmem>>, %arg1: memref<4x256x16xf32, #tpu.memory_space<vmem>>, %arg2: memref<4x128x2048xf32, #tpu.memory_space<vmem>>, %arg3: memref<64x16xf32, #tpu.memory_space<vmem>>, %arg4: memref<64x1xf32, #tpu.memory_space<vmem>>, %arg5: memref<64x1xf32, #tpu.memory_space<vmem>>, %arg6: memref<64x1xf32, #tpu.memory_space<vmem>>, %arg7: memref<64x64xf32, #tpu.memory_space<vmem>>, %arg8: memref<64x1xf32, #tpu.memory_space<vmem>>, %arg9: memref<64x1xf32, #tpu.memory_space<vmem>>, %arg10: memref<64x1xf32, #tpu.memory_space<vmem>>, %arg11: memref<128x64xf32, #tpu.memory_space<vmem>>, %arg12: memref<128x1xf32, #tpu.memory_space<vmem>>, %arg13: memref<4x128x2048xf32, #tpu.memory_space<vmem>>) attributes {dimension_semantics = [], scalar_prefetch = 0 : i64, scratch_operands = 0 : i64, tpu.core_type = #tpu.core_type<tc>} {
    %get3A = arith.constant 0 : index
    %get3A_0 = arith.constant 0 : index
    %get3A_1 = arith.constant 0 : index
    %get3A_2 = vector.load %arg0[%get3A, %get3A_0, %get3A_1] : memref<4x1792x16xf32, #tpu.memory_space<vmem>>, vector<1x1792x16xf32>
    %get3A_3 = vector.shape_cast %get3A_2 : vector<1x1792x16xf32> to vector<1792x16xf32>
    %get3A_4 = arith.constant 0 : index
    %get3A_5 = arith.constant 0 : index
    %get3A_6 = arith.constant 0 : index
    %get3A_7 = vector.load %arg1[%get3A_4, %get3A_5, %get3A_6] : memref<4x256x16xf32, #tpu.memory_space<vmem>>, vector<1x256x16xf32>
    %get3A_8 = vector.shape_cast %get3A_7 : vector<1x256x16xf32> to vector<256x16xf32>
    %get3A_9 = arith.constant 1 : index
    %get3A_10 = arith.constant 0 : index
    %get3A_11 = arith.constant 0 : index
    %get3A_12 = vector.load %arg0[%get3A_9, %get3A_10, %get3A_11] : memref<4x1792x16xf32, #tpu.memory_space<vmem>>, vector<1x1792x16xf32>
    %get3A_13 = vector.shape_cast %get3A_12 : vector<1x1792x16xf32> to vector<1792x16xf32>
    %get3A_14 = arith.constant 1 : index
    %get3A_15 = arith.constant 0 : index
    %get3A_16 = arith.constant 0 : index
    %get3A_17 = vector.load %arg1[%get3A_14, %get3A_15, %get3A_16] : memref<4x256x16xf32, #tpu.memory_space<vmem>>, vector<1x256x16xf32>
    %get3A_18 = vector.shape_cast %get3A_17 : vector<1x256x16xf32> to vector<256x16xf32>
    %get3A_19 = arith.constant 2 : index
    %get3A_20 = arith.constant 0 : index
    %get3A_21 = arith.constant 0 : index
    %get3A_22 = vector.load %arg0[%get3A_19, %get3A_20, %get3A_21] : memref<4x1792x16xf32, #tpu.memory_space<vmem>>, vector<1x1792x16xf32>
    %get3A_23 = vector.shape_cast %get3A_22 : vector<1x1792x16xf32> to vector<1792x16xf32>
    %get3A_24 = arith.constant 2 : index
    %get3A_25 = arith.constant 0 : index
    %get3A_26 = arith.constant 0 : index
    %get3A_27 = vector.load %arg1[%get3A_24, %get3A_25, %get3A_26] : memref<4x256x16xf32, #tpu.memory_space<vmem>>, vector<1x256x16xf32>
    %get3A_28 = vector.shape_cast %get3A_27 : vector<1x256x16xf32> to vector<256x16xf32>
    %get3A_29 = arith.constant 3 : index
    %get3A_30 = arith.constant 0 : index
    %get3A_31 = arith.constant 0 : index
    %get3A_32 = vector.load %arg0[%get3A_29, %get3A_30, %get3A_31] : memref<4x1792x16xf32, #tpu.memory_space<vmem>>, vector<1x1792x16xf32>
    %get3A_33 = vector.shape_cast %get3A_32 : vector<1x1792x16xf32> to vector<1792x16xf32>
    %get3A_34 = arith.constant 3 : index
    %get3A_35 = arith.constant 0 : index
    %get3A_36 = arith.constant 0 : index
    %get3A_37 = vector.load %arg1[%get3A_34, %get3A_35, %get3A_36] : memref<4x256x16xf32, #tpu.memory_space<vmem>>, vector<1x256x16xf32>
    %get3A_38 = vector.shape_cast %get3A_37 : vector<1x256x16xf32> to vector<256x16xf32>
    %concatenate3A = tpu.concatenate %get3A_3, %get3A_8, %get3A_13, %get3A_18, %get3A_23, %get3A_28, %get3A_33, %get3A_38 in 0 : vector<1792x16xf32>, vector<256x16xf32>, vector<1792x16xf32>, vector<256x16xf32>, vector<1792x16xf32>, vector<256x16xf32>, vector<1792x16xf32>, vector<256x16xf32> -> vector<8192x16xf32>
    %reduce_sum3A = arith.constant dense<0.000000e+00> : vector<8192xf32>
    %reduce_sum3A_39 = vector.multi_reduction <add>, %concatenate3A, %reduce_sum3A [1] : vector<8192x16xf32> to vector<8192xf32>
    %broadcast_in_dim3A = vector.shape_cast %reduce_sum3A_39 : vector<8192xf32> to vector<8192x1xf32>
    %div3A = vector.broadcast %broadcast_in_dim3A : vector<8192x1xf32> to vector<8192x16xf32>
    %div3A_40 = arith.divf %concatenate3A, %div3A : vector<8192x16xf32>
    %get3A_41 = arith.constant 0 : index
    %get3A_42 = arith.constant 0 : index
    %get3A_43 = vector.load %arg3[%get3A_41, %get3A_42] : memref<64x16xf32, #tpu.memory_space<vmem>>, vector<64x16xf32>
    %dot_general3A = arith.constant dense<0.000000e+00> : vector<64x8192xf32>
    %dot_general3A_44 = tpu.matmul %get3A_43, %div3A_40, %dot_general3A {dimension_numbers = #tpu.dot_dimension_numbers<[1], [1], [0], [0], [0, 0, 1, 0], [], []>, transpose_lhs_hint = false} : vector<64x16xf32>, vector<8192x16xf32>, vector<64x8192xf32> -> vector<64x8192xf32>
    %get3A_45 = arith.constant 0 : index
    %get3A_46 = arith.constant 0 : index
    %get3A_47 = vector.load %arg4[%get3A_45, %get3A_46] : memref<64x1xf32, #tpu.memory_space<vmem>>, vector<64x1xf32>
    %add3A = vector.broadcast %get3A_47 : vector<64x1xf32> to vector<64x8192xf32>
    %add3A_48 = arith.addf %dot_general3A_44, %add3A : vector<64x8192xf32>
    %get3A_49 = arith.constant 0 : index
    %get3A_50 = arith.constant 0 : index
    %get3A_51 = vector.load %arg5[%get3A_49, %get3A_50] : memref<64x1xf32, #tpu.memory_space<vmem>>, vector<64x1xf32>
    %get3A_52 = arith.constant 0 : index
    %get3A_53 = arith.constant 0 : index
    %get3A_54 = vector.load %arg6[%get3A_52, %get3A_53] : memref<64x1xf32, #tpu.memory_space<vmem>>, vector<64x1xf32>
    %reduce_sum3A_55 = arith.constant dense<0.000000e+00> : vector<64xf32>
    %reduce_sum3A_56 = vector.multi_reduction <add>, %add3A_48, %reduce_sum3A_55 [1] : vector<64x8192xf32> to vector<64xf32>
    %broadcast_in_dim3A_57 = vector.shape_cast %reduce_sum3A_56 : vector<64xf32> to vector<64x1xf32>
    %div3A_58 = arith.constant 8.192000e+03 : f32
    %div3A_59 = vector.broadcast %div3A_58 : f32 to vector<64x1xf32>
    %div3A_60 = arith.divf %broadcast_in_dim3A_57, %div3A_59 : vector<64x1xf32>
    %sub3A = vector.broadcast %div3A_60 : vector<64x1xf32> to vector<64x8192xf32>
    %sub3A_61 = arith.subf %add3A_48, %sub3A : vector<64x8192xf32>
    %sub3A_62 = vector.broadcast %div3A_60 : vector<64x1xf32> to vector<64x8192xf32>
    %sub3A_63 = arith.subf %add3A_48, %sub3A_62 : vector<64x8192xf32>
    %mul3A = arith.mulf %sub3A_61, %sub3A_63 : vector<64x8192xf32>
    %reduce_sum3A_64 = arith.constant dense<0.000000e+00> : vector<64xf32>
    %reduce_sum3A_65 = vector.multi_reduction <add>, %mul3A, %reduce_sum3A_64 [1] : vector<64x8192xf32> to vector<64xf32>
    %broadcast_in_dim3A_66 = vector.shape_cast %reduce_sum3A_65 : vector<64xf32> to vector<64x1xf32>
    %div3A_67 = arith.constant 8.192000e+03 : f32
    %div3A_68 = vector.broadcast %div3A_67 : f32 to vector<64x1xf32>
    %div3A_69 = arith.divf %broadcast_in_dim3A_66, %div3A_68 : vector<64x1xf32>
    %sub3A_70 = vector.broadcast %div3A_60 : vector<64x1xf32> to vector<64x8192xf32>
    %sub3A_71 = arith.subf %add3A_48, %sub3A_70 : vector<64x8192xf32>
    %add3A_72 = arith.constant 9.99999974E-6 : f32
    %add3A_73 = vector.broadcast %add3A_72 : f32 to vector<64x1xf32>
    %add3A_74 = arith.addf %div3A_69, %add3A_73 : vector<64x1xf32>
    %sqrt3A = math.sqrt %add3A_74 : vector<64x1xf32>
    %div3A_75 = vector.broadcast %sqrt3A : vector<64x1xf32> to vector<64x8192xf32>
    %div3A_76 = arith.divf %sub3A_71, %div3A_75 : vector<64x8192xf32>
    %mul3A_77 = vector.broadcast %get3A_51 : vector<64x1xf32> to vector<64x8192xf32>
    %mul3A_78 = arith.mulf %div3A_76, %mul3A_77 : vector<64x8192xf32>
    %add3A_79 = vector.broadcast %get3A_54 : vector<64x1xf32> to vector<64x8192xf32>
    %add3A_80 = arith.addf %mul3A_78, %add3A_79 : vector<64x8192xf32>
    %max3A = arith.constant 0.000000e+00 : f32
    %max3A_81 = vector.broadcast %max3A : f32 to vector<64x8192xf32>
    %max3A_82 = arith.maximumf %add3A_80, %max3A_81 : vector<64x8192xf32>
    %get3A_83 = arith.constant 0 : index
    %get3A_84 = arith.constant 0 : index
    %get3A_85 = vector.load %arg7[%get3A_83, %get3A_84] : memref<64x64xf32, #tpu.memory_space<vmem>>, vector<64x64xf32>
    %dot_general3A_86 = arith.constant dense<0.000000e+00> : vector<64x8192xf32>
    %dot_general3A_87 = tpu.matmul %get3A_85, %max3A_82, %dot_general3A_86 {dimension_numbers = #tpu.dot_dimension_numbers<[1], [0], [0], [1], [0, 0, 1, 1], [], []>, transpose_lhs_hint = false} : vector<64x64xf32>, vector<64x8192xf32>, vector<64x8192xf32> -> vector<64x8192xf32>
    %get3A_88 = arith.constant 0 : index
    %get3A_89 = arith.constant 0 : index
    %get3A_90 = vector.load %arg8[%get3A_88, %get3A_89] : memref<64x1xf32, #tpu.memory_space<vmem>>, vector<64x1xf32>
    %add3A_91 = vector.broadcast %get3A_90 : vector<64x1xf32> to vector<64x8192xf32>
    %add3A_92 = arith.addf %dot_general3A_87, %add3A_91 : vector<64x8192xf32>
    %get3A_93 = arith.constant 0 : index
    %get3A_94 = arith.constant 0 : index
    %get3A_95 = vector.load %arg9[%get3A_93, %get3A_94] : memref<64x1xf32, #tpu.memory_space<vmem>>, vector<64x1xf32>
    %get3A_96 = arith.constant 0 : index
    %get3A_97 = arith.constant 0 : index
    %get3A_98 = vector.load %arg10[%get3A_96, %get3A_97] : memref<64x1xf32, #tpu.memory_space<vmem>>, vector<64x1xf32>
    %reduce_sum3A_99 = arith.constant dense<0.000000e+00> : vector<64xf32>
    %reduce_sum3A_100 = vector.multi_reduction <add>, %add3A_92, %reduce_sum3A_99 [1] : vector<64x8192xf32> to vector<64xf32>
    %broadcast_in_dim3A_101 = vector.shape_cast %reduce_sum3A_100 : vector<64xf32> to vector<64x1xf32>
    %div3A_102 = arith.constant 8.192000e+03 : f32
    %div3A_103 = vector.broadcast %div3A_102 : f32 to vector<64x1xf32>
    %div3A_104 = arith.divf %broadcast_in_dim3A_101, %div3A_103 : vector<64x1xf32>
    %sub3A_105 = vector.broadcast %div3A_104 : vector<64x1xf32> to vector<64x8192xf32>
    %sub3A_106 = arith.subf %add3A_92, %sub3A_105 : vector<64x8192xf32>
    %sub3A_107 = vector.broadcast %div3A_104 : vector<64x1xf32> to vector<64x8192xf32>
    %sub3A_108 = arith.subf %add3A_92, %sub3A_107 : vector<64x8192xf32>
    %mul3A_109 = arith.mulf %sub3A_106, %sub3A_108 : vector<64x8192xf32>
    %reduce_sum3A_110 = arith.constant dense<0.000000e+00> : vector<64xf32>
    %reduce_sum3A_111 = vector.multi_reduction <add>, %mul3A_109, %reduce_sum3A_110 [1] : vector<64x8192xf32> to vector<64xf32>
    %broadcast_in_dim3A_112 = vector.shape_cast %reduce_sum3A_111 : vector<64xf32> to vector<64x1xf32>
    %div3A_113 = arith.constant 8.192000e+03 : f32
    %div3A_114 = vector.broadcast %div3A_113 : f32 to vector<64x1xf32>
    %div3A_115 = arith.divf %broadcast_in_dim3A_112, %div3A_114 : vector<64x1xf32>
    %sub3A_116 = vector.broadcast %div3A_104 : vector<64x1xf32> to vector<64x8192xf32>
    %sub3A_117 = arith.subf %add3A_92, %sub3A_116 : vector<64x8192xf32>
    %add3A_118 = arith.constant 9.99999974E-6 : f32
    %add3A_119 = vector.broadcast %add3A_118 : f32 to vector<64x1xf32>
    %add3A_120 = arith.addf %div3A_115, %add3A_119 : vector<64x1xf32>
    %sqrt3A_121 = math.sqrt %add3A_120 : vector<64x1xf32>
    %div3A_122 = vector.broadcast %sqrt3A_121 : vector<64x1xf32> to vector<64x8192xf32>
    %div3A_123 = arith.divf %sub3A_117, %div3A_122 : vector<64x8192xf32>
    %mul3A_124 = vector.broadcast %get3A_95 : vector<64x1xf32> to vector<64x8192xf32>
    %mul3A_125 = arith.mulf %div3A_123, %mul3A_124 : vector<64x8192xf32>
    %add3A_126 = vector.broadcast %get3A_98 : vector<64x1xf32> to vector<64x8192xf32>
    %add3A_127 = arith.addf %mul3A_125, %add3A_126 : vector<64x8192xf32>
    %max3A_128 = arith.constant 0.000000e+00 : f32
    %max3A_129 = vector.broadcast %max3A_128 : f32 to vector<64x8192xf32>
    %max3A_130 = arith.maximumf %add3A_127, %max3A_129 : vector<64x8192xf32>
    %get3A_131 = arith.constant 0 : index
    %get3A_132 = arith.constant 0 : index
    %get3A_133 = vector.load %arg11[%get3A_131, %get3A_132] : memref<128x64xf32, #tpu.memory_space<vmem>>, vector<128x64xf32>
    %dot_general3A_134 = arith.constant dense<0.000000e+00> : vector<128x8192xf32>
    %dot_general3A_135 = tpu.matmul %get3A_133, %max3A_130, %dot_general3A_134 {dimension_numbers = #tpu.dot_dimension_numbers<[1], [0], [0], [1], [0, 0, 1, 1], [], []>, transpose_lhs_hint = false} : vector<128x64xf32>, vector<64x8192xf32>, vector<128x8192xf32> -> vector<128x8192xf32>
    %get3A_136 = arith.constant 0 : index
    %get3A_137 = arith.constant 0 : index
    %get3A_138 = vector.load %arg12[%get3A_136, %get3A_137] : memref<128x1xf32, #tpu.memory_space<vmem>>, vector<128x1xf32>
    %add3A_139 = vector.broadcast %get3A_138 : vector<128x1xf32> to vector<128x8192xf32>
    %add3A_140 = arith.addf %dot_general3A_135, %add3A_139 : vector<128x8192xf32>
    %get3A_141 = arith.constant 0 : index
    %get3A_142 = arith.constant 0 : index
    %get3A_143 = arith.constant 0 : index
    %get3A_144 = vector.load %arg2[%get3A_141, %get3A_142, %get3A_143] : memref<4x128x2048xf32, #tpu.memory_space<vmem>>, vector<1x128x2048xf32>
    %get3A_145 = vector.shape_cast %get3A_144 : vector<1x128x2048xf32> to vector<128x2048xf32>
    %slice3A = vector.extract_strided_slice %add3A_140 {offsets = [0, 0], sizes = [128, 2048], strides = [1, 1]} : vector<128x8192xf32> to vector<128x2048xf32>
    %add3A_146 = arith.addf %get3A_145, %slice3A : vector<128x2048xf32>
    %swap3A = arith.constant 0 : index
    %swap3A_147 = arith.constant 0 : index
    %swap3A_148 = arith.constant 0 : index
    %swap3A_149 = vector.load %arg13[%swap3A, %swap3A_147, %swap3A_148] : memref<4x128x2048xf32, #tpu.memory_space<vmem>>, vector<1x128x2048xf32>
    %swap3A_150 = vector.shape_cast %swap3A_149 : vector<1x128x2048xf32> to vector<128x2048xf32>
    %swap3A_151 = vector.shape_cast %add3A_146 : vector<128x2048xf32> to vector<1x128x2048xf32>
    tpu.vector_store %arg13[%swap3A, %swap3A_147, %swap3A_148], %swap3A_151 {strides = array<i32>} : memref<4x128x2048xf32, #tpu.memory_space<vmem>>, vector<1x128x2048xf32>,
    %get3A_152 = arith.constant 1 : index
    %get3A_153 = arith.constant 0 : index
    %get3A_154 = arith.constant 0 : index
    %get3A_155 = vector.load %arg2[%get3A_152, %get3A_153, %get3A_154] : memref<4x128x2048xf32, #tpu.memory_space<vmem>>, vector<1x128x2048xf32>
    %get3A_156 = vector.shape_cast %get3A_155 : vector<1x128x2048xf32> to vector<128x2048xf32>
    %slice3A_157 = vector.extract_strided_slice %add3A_140 {offsets = [0, 2048], sizes = [128, 2048], strides = [1, 1]} : vector<128x8192xf32> to vector<128x2048xf32>
    %add3A_158 = arith.addf %get3A_156, %slice3A_157 : vector<128x2048xf32>
    %swap3A_159 = arith.constant 1 : index
    %swap3A_160 = arith.constant 0 : index
    %swap3A_161 = arith.constant 0 : index
    %swap3A_162 = vector.load %arg13[%swap3A_159, %swap3A_160, %swap3A_161] : memref<4x128x2048xf32, #tpu.memory_space<vmem>>, vector<1x128x2048xf32>
    %swap3A_163 = vector.shape_cast %swap3A_162 : vector<1x128x2048xf32> to vector<128x2048xf32>
    %swap3A_164 = vector.shape_cast %add3A_158 : vector<128x2048xf32> to vector<1x128x2048xf32>
    tpu.vector_store %arg13[%swap3A_159, %swap3A_160, %swap3A_161], %swap3A_164 {strides = array<i32>} : memref<4x128x2048xf32, #tpu.memory_space<vmem>>, vector<1x128x2048xf32>,
    %get3A_165 = arith.constant 2 : index
    %get3A_166 = arith.constant 0 : index
    %get3A_167 = arith.constant 0 : index
    %get3A_168 = vector.load %arg2[%get3A_165, %get3A_166, %get3A_167] : memref<4x128x2048xf32, #tpu.memory_space<vmem>>, vector<1x128x2048xf32>
    %get3A_169 = vector.shape_cast %get3A_168 : vector<1x128x2048xf32> to vector<128x2048xf32>
    %slice3A_170 = vector.extract_strided_slice %add3A_140 {offsets = [0, 4096], sizes = [128, 2048], strides = [1, 1]} : vector<128x8192xf32> to vector<128x2048xf32>
    %add3A_171 = arith.addf %get3A_169, %slice3A_170 : vector<128x2048xf32>
    %swap3A_172 = arith.constant 2 : index
    %swap3A_173 = arith.constant 0 : index
    %swap3A_174 = arith.constant 0 : index
    %swap3A_175 = vector.load %arg13[%swap3A_172, %swap3A_173, %swap3A_174] : memref<4x128x2048xf32, #tpu.memory_space<vmem>>, vector<1x128x2048xf32>
    %swap3A_176 = vector.shape_cast %swap3A_175 : vector<1x128x2048xf32> to vector<128x2048xf32>
    %swap3A_177 = vector.shape_cast %add3A_171 : vector<128x2048xf32> to vector<1x128x2048xf32>
    tpu.vector_store %arg13[%swap3A_172, %swap3A_173, %swap3A_174], %swap3A_177 {strides = array<i32>} : memref<4x128x2048xf32, #tpu.memory_space<vmem>>, vector<1x128x2048xf32>,
    %get3A_178 = arith.constant 3 : index
    %get3A_179 = arith.constant 0 : index
    %get3A_180 = arith.constant 0 : index
    %get3A_181 = vector.load %arg2[%get3A_178, %get3A_179, %get3A_180] : memref<4x128x2048xf32, #tpu.memory_space<vmem>>, vector<1x128x2048xf32>
    %get3A_182 = vector.shape_cast %get3A_181 : vector<1x128x2048xf32> to vector<128x2048xf32>
    %slice3A_183 = vector.extract_strided_slice %add3A_140 {offsets = [0, 6144], sizes = [128, 2048], strides = [1, 1]} : vector<128x8192xf32> to vector<128x2048xf32>
    %add3A_184 = arith.addf %get3A_182, %slice3A_183 : vector<128x2048xf32>
    %swap3A_185 = arith.constant 3 : index
    %swap3A_186 = arith.constant 0 : index
    %swap3A_187 = arith.constant 0 : index
    %swap3A_188 = vector.load %arg13[%swap3A_185, %swap3A_186, %swap3A_187] : memref<4x128x2048xf32, #tpu.memory_space<vmem>>, vector<1x128x2048xf32>
    %swap3A_189 = vector.shape_cast %swap3A_188 : vector<1x128x2048xf32> to vector<128x2048xf32>
    %swap3A_190 = vector.shape_cast %add3A_184 : vector<128x2048xf32> to vector<1x128x2048xf32>
    tpu.vector_store %arg13[%swap3A_185, %swap3A_186, %swap3A_187], %swap3A_190 {strides = array<i32>} : memref<4x128x2048xf32, #tpu.memory_space<vmem>>, vector<1x128x2048xf32>,
    return
  }
}

</mosaic_0001>

<sc_bundles>
// kernel: kernel.5.cloned.1.call-start
scs
__scs_entry_jumppad:
0x0: {  	(pc) =	sbr.rel $0x88, $3  }
0x1: {  	(tag) =	ssettag $0x0;
	lr =	simm.s32 $0x1  }
0x2: {  	[smem:$0x3F95] =	sst lr;
	_ =	strace $0xD0000000  }
0x3: {  	_ = 	snop  }
0x4: {  	_ = 	snop  }
0x5: {  	_ = 	snop  }
0x6: {  	_ = 	snop  }
0x7: {  	_ = 	snop  }
__scs_overlays_trampoline_lowered:
0x8: {  	[smem:$0x3FA4] =	sst s0  }
0x9: {  	[smem:$0x3FA5] =	sst s1  }
0xa: {  	[smem:$0x3FA6] =	sst s2  }
0xb: {  	[smem:$0x3FA7] =	sst s3  }
0xc: {  	[smem:$0x3FA8] =	sst s4  }
0xd: {  	[smem:$0x3FA9] =	sst s5  }
0xe: {  	[smem:$0x3FAA] =	sst s6  }
0xf: {  	[smem:$0x3FAB] =	sst s7  }
0x10: {  	[smem:$0x3FAC] =	sst s8  }
0x11: {  	[smem:$0x3FAD] =	sst s9;
	s0 =	simm.s32 @!p0 $0x0  }
0x12: {  	s1 =	sld [smem:$0x3F93];
	s0 =	simm.s32 @p0 $0x1  }
0x13: {  	[smem:$0x3FAE] =	sst s0;
	s0 =	simm.s32 @!p1 $0x0  }
0x14: {  	s2 =	sld [smem:$0x3F92];
	s0 =	simm.s32 @p1 $0x1  }
0x15: {  	[smem:$0x3FAF] =	sst s0;
	s0 =	simm.s32 @!p2 $0x0  }
0x16: {  	s3 =	sld [smem:$0x3FDB];
	s0 =	simm.s32 @p2 $0x1  }
0x17: {  	s4 =	simm.s32 $0x1BF5;
	[smem:$0x3FB1] =	sst s0  }
0x18: {  	s0 =	sld [smem:$0x3F94];
	_ =	swait.ge [sflag:s4], $0x0  }
0x19: {  	s7 =	sld [smem:$0x3F95]  }
0x1a: {  	s8 =	sadd.s32 $0xFFFFE003, lr  }
0x1b: {  	s9 =	sadd.s32 $0xFFFFFEF7, lr;
	s5 =	simm.s32 $0xFFFFFFFF;
	p2 =	slt.u32 s8, $0xFFFFF086  }
0x1c: {  	p1 =	slt.u32 s9, $0xF7A;
	s5 =	simm.s32 @!p2 $0x0  }
0x1d: {  	s5 =	simm.s32 @p1 $0x1;
	p0 =	seq.s32 s7, s2  }
0x1e: {  	s7 =	smul.u32 @!p0 $0xF7A, s2;
	p2 =	seq.s32 @!p0 s5, $0x0  }
0x1f: {  	s9 =	smul.u32 $0xF7A, s1;
	s8 =	simm.s32 @!p0 $0x1BF5;
	p2 =	por !p2, p0  }
0x20: {  	[sflag:s8] =	ssyncset.s32 @!p0 $0xFFFFF086;
	s6 =	sadd.s32 @!p0 s3, s7;
	s7 =	simm.s32 @!p0 $0x108  }
0x21: {  	s3 =	sadd.s32 s3, s9;
	s6 =	sadd.s32 @!p0 $0x88, s6;
	s7 =	simm.s32 @p2 $0x1082  }
0x22: {  	[simem:s7], [sflag:s8] =	dma.local @!p0 [hbm:s6], $0xF7A  }
0x23: {  	s9 =	sor.u32 $0xD0000000, s2;
	s6 =	simm.s32 $0x108;
	_ =	swait.ge @!p0 [sflag:s8], $0x0  }
0x24: {  	s3 =	sadd.s32 $0x88, s3;
	s6 =	simm.s32 @!p1 $0x1082;
	[sflag:s4] =	ssyncset.s32 $0xFFFFF086  }
0x25: {  	[simem:s6], [sflag:s4] =	dma.local [hbm:s3], $0xF7A  }
0x26: {  	[smem:$0x3F95] =	sst s1;
	(tag) =	ssettag s2;
	_ =	strace s9  }
0x27: {  	s1 =	sld [smem:$0x3FA5]  }
0x28: {  	s2 =	sld [smem:$0x3FA6]  }
0x29: {  	s4 =	sld [smem:$0x3FA8]  }
0x2a: {  	p0 =	seq.s32 s5, $0x0;
	s5 =	sld [smem:$0x3FA9]  }
0x2b: {  	s6 =	sld [smem:$0x3FAA]  }
0x2c: {  	s7 =	sld [smem:$0x3FAB]  }
0x2d: {  	s3 =	simm.s32 $0x108;
	s8 =	sld [smem:$0x3FAC]  }
0x2e: {  	s3 =	simm.s32 @!p0 $0x1082;
	s9 =	sld [smem:$0x3FAD]  }
0x2f: {  	lr =	sadd.s32 s0, s3;
	s0 =	sld [smem:$0x3FA4]  }
0x30: {  	s3 =	sld [smem:$0x3FA7]  }
0x31: {  	[smem:$0x3FB0] =	sst s10  }
0x32: {  	s10 =	sld [smem:$0x3FAE];
	_ =	sdelay $0x3  }
0x33: {  	p0 =	seq.s32 s10, $0x1;
	s10 =	sld [smem:$0x3FB0];
	_ =	sdelay $0x3  }
0x34: {  	[smem:$0x3FB0] =	sst s10  }
0x35: {  	s10 =	sld [smem:$0x3FAF];
	_ =	sdelay $0x3  }
0x36: {  	p1 =	seq.s32 s10, $0x1;
	s10 =	sld [smem:$0x3FB0];
	_ =	sdelay $0x3  }
0x37: {  	[smem:$0x3FB0] =	sst s10  }
0x38: {  	s10 =	sld [smem:$0x3FB1]  }
0x39: {  	_ = 	snop;
	(pc) =	sbr.ind lr, $3  }
0x3a: {  	_ = 	snop  }
0x3b: {  	_ = 	snop  }
0x3c: {  	p2 =	seq.s32 s10, $0x1;
	s10 =	sld [smem:$0x3FB0]  }
0x3d: {  	_ =	shalt  }
0x3e: {  	_ =	shalt  }
0x3f: {  	_ =	shalt  }
0x40: {  	_ =	shalt  }
0x41: {  	_ =	shalt  }
0x42: {  	_ =	shalt  }
0x43: {  	_ =	shalt  }
0x44: {  	_ =	shalt  }
0x45: {  	_ =	shalt  }
0x46: {  	_ =	shalt  }
0x47: {  	_ =	shalt  }
0x48: {  	_ =	shalt  }
0x49: {  	_ =	shalt  }
0x4a: {  	_ =	shalt  }
0x4b: {  	_ =	shalt  }
0x4c: {  	_ =	shalt  }
0x4d: {  	_ =	shalt  }
0x4e: {  	_ =	shalt  }
0x4f: {  	_ =	shalt  }
0x50: {  	_ =	shalt  }
0x51: {  	_ =	shalt  }
0x52: {  	_ =	shalt  }
0x53: {  	_ =	shalt  }
0x54: {  	_ =	shalt  }
0x55: {  	_ =	shalt  }
0x56: {  	_ =	shalt  }
0x57: {  	_ =	shalt  }
0x58: {  	_ =	shalt  }
0x59: {  	_ =	shalt  }
0x5a: {  	_ =	shalt  }
0x5b: {  	_ =	shalt  }
0x5c: {  	_ =	shalt  }
0x5d: {  	_ =	shalt  }
0x5e: {  	_ =	shalt  }
0x5f: {  	_ =	shalt  }
0x60: {  	_ =	shalt  }
0x61: {  	_ =	shalt  }
0x62: {  	_ =	shalt  }
0x63: {  	_ =	shalt  }
0x64: {  	_ =	shalt  }
0x65: {  	_ =	shalt  }
0x66: {  	_ =	shalt  }
0x67: {  	_ =	shalt  }
0x68: {  	_ =	shalt  }
0x69: {  	_ =	shalt  }
0x6a: {  	_ =	shalt  }
0x6b: {  	_ =	shalt  }
0x6c: {  	_ =	shalt  }
0x6d: {  	_ =	shalt  }
0x6e: {  	_ =	shalt  }
0x6f: {  	_ =	shalt  }
0x70: {  	_ =	shalt  }
0x71: {  	_ =	shalt  }
0x72: {  	_ =	shalt  }
0x73: {  	_ =	shalt  }
0x74: {  	_ =	shalt  }
0x75: {  	_ =	shalt  }
0x76: {  	_ =	shalt  }
0x77: {  	_ =	shalt  }
0x78: {  	_ =	shalt  }
0x79: {  	_ =	shalt  }
0x7a: {  	_ =	shalt  }
0x7b: {  	_ =	shalt  }
0x7c: {  	_ =	shalt  }
0x7d: {  	_ =	shalt  }
0x7e: {  	_ =	shalt  }
0x7f: {  	_ =	shalt  }
0x80: {  	_ =	shalt  }
0x81: {  	_ =	shalt  }
0x82: {  	_ =	shalt  }
0x83: {  	_ =	shalt  }
0x84: {  	_ =	shalt  }
0x85: {  	_ =	shalt  }
0x86: {  	_ =	shalt  }
0x87: {  	_ =	shalt  }
.Lfunc_end0:
.L_simem_size_0:
called_computation_lowered:
.L_overlay_start_0:
0x88: {  	s2 =	sld [smem:$0x3FD9]  }
0x89: {  	s3 =	sld [smem:$0x3FFE];
	_ =	sdelay $0x1  }
0x8a: {  	s1 =	srdreg.scid  }
0x8b: {  	s0 =	sand.u32 $0x1, s1  }
0x8c: {  	s17 =	sshll.u32 s0, $0xA;
	s2 =	sadd.s32 s3, s2  }
0x8d: {  	s2 =	sadd.s32 s2, s17  }
0x8e: {  	[smem:$0x3FBC] =	sst s2  }
0x8f: {  	_ = 	snop  }
0x90: {  	s2 =	sld [smem:$0x3FD0];
	(tm) =	ssettm $0x1  }
0x91: {  	s18 =	sld [smem:$0x3FFB];
	_ =	sdelay $0x3  }
0x92: {  	_ =	strace s18  }
0x93: {  	s3 =	sld [smem:$0x3FFC];
	_ =	sdelay $0x3  }
0x94: {  	_ =	strace s3  }
0x95: {  	s3 =	sld [smem:$0x3FFD];
	_ =	sdelay $0x3  }
0x96: {  	_ =	strace s3  }
0x97: {  	_ =	strace $0x8FFFFFFF  }
0x98: {  	s19 =	sld [smem:$0x3FDB];
	_ =	sdelay $0x1  }
0x99: {  	s4 =	simm.s32 $_scs_section_size  }
0x9a: {  	s5 =	simm.s32 $_size__tile_overlayer_lowered;
	s6 =	simm.s32 $_tile_overlayer_lowered  }
0x9b: {  	s22 =	simm.s32 $0x1BFF;
	s21 =	sshll.u32 s6, $0x1;
	s3 =	sadd.s32 s4, s19  }
0x9c: {  	s7 =	simm.s32 $0x0;
	s20 =	sshll.u32 s5, $0x1;
	s5 =	sadd.s32 s21, s3  }
0x9d: {  	[timem:s7], [sflag:s22] =	dma.local [hbm:s5], s20  }
0x9e: {  	_ =	swait.ge [sflag:s22], s20  }
0x9f: {  	s4 =	ssub.s32 $0x0, s20;
	[sflag:s22] =	ssyncset.done $0x0  }
0xa0: {  	[sflag:s22] =	ssyncadd.s32 s4;
	_ =	sdelay $0x1  }
0xa1: {  	s23 =	simm.s32 $0x1B8B  }
0xa2: {  	_ =	swait.ge [sflag:s23], $0x1  }
0xa3: {  	[sflag:s23] =	ssyncset.done $0x0  }
0xa4: {  	s25 =	simm.s32 $0x1B8E;
	s24 =	sld [smem:$0x3FFE];
	[sflag:s23] =	ssyncadd.s32 $0xFFFFFFFF  }
0xa5: {  	s26 =	simm.s32 $execute0_lowered;
	[smem:$0x3FD2] =	sst s25  }
0xa6: {  	s5 =	sshll.u32 s26, $0x1;
	_ =	strace $0x80000046;
	[dreg:$0x1] =	wrdreg $0xFFFFFFFF  }
0xa7: {  	s28 =	simm.s32 $_size_execute0_lowered;
	s3 =	sadd.s32 s3, s5;
	[dreg:$0x0] =	wrdreg $0x0  }
0xa8: {  	s5 =	sshll.u32 s28, $0x1;
	[dreg:$0x2] =	wrdreg s3  }
0xa9: {  	[dreg:$0x3] =	wrdreg s5  }
0xaa: {  	[dreg:$0x4] =	wrdreg $0xC0  }
0xab: {  	_ =	task [dreg:s7], $0x5FFFF  }
0xac: {  	[dreg:$0x1] =	wrdreg $0xFFFFFFFF  }
0xad: {  	[dreg:$0x0] =	wrdreg $0x60  }
0xae: {  	[dreg:$0x2] =	wrdreg s24  }
0xaf: {  	[dreg:$0x3] =	wrdreg s2  }
0xb0: {  	[dreg:$0x4] =	wrdreg $0x9  }
0xb1: {  	_ =	task.clear_ibuf [dreg:s7], $0x5FFFF;
	_ =	strace $0x90000046  }
0xb2: {  	s29 =	simm.s32 $0x9;
	_ =	strace $0x80000048  }
0xb3: {  	_ =	swait.ge [sflag:s29], $0x1  }
0xb4: {  	[sflag:s29] =	ssyncadd.s32 $0xFFFFFFFF  }
0xb5: {  	_ =	strace $0x90000048  }
0xb6: {  	_ =	sfence  }
0xb7: {  	s30 =	sld [smem:$0x0];
	_ =	sdelay $0x2  }
0xb8: {  	s31 =	sshll.u32 s1, $0xD;
	s1 =	sshrl.u32 s1, $0x2  }
0xb9: {  	s3 =	sand.u32 $0x4000, s31;
	s1 =	sadd.s32 s1, s30  }
0xba: {  	s0 =	sor.u32 s3, s0;
	s1 =	sshll.u32 s1, $0x11  }
0xbb: {  	s0 =	sor.u32 s1, s0  }
0xbc: {  	s0 =	sadd.s32 $0x8F2B, s0  }
0xbd: {  	[sflag:s0] =	ssyncadd.remote.s32 $0x1  }
0xbe: {  	_ =	sfence.sel $0xFFFF  }
0xbf: {  	[dreg:$0x0] =	wrdreg $0xFFFFFFFF;
	(pc) =	sbr.abs _section_cstart, $3  }
0xc0: {  	[dreg:$0x1] =	wrdreg $0xFFFFFFFF  }
0xc1: {  	_ =	task.clear_ibuf [dreg:s7], $0x2FFFF;
	_ =	strace $0x9FFFFFFF  }
0xc2: {  	(tm) =	ssettm $0x7FFFFFFF  }
0xc3: {  	_ =	shalt  }
tec
execute0_lowered:
.L_overlay_start_1:
0x0: {  	(tag) =	ssettag $0x1  }
0x1: {  	s4 =	rddreg [dreg:$0x0]  }
0x2: {  	s8 =	rddreg [dreg:$0x1]  }
0x3: {  	s0 =	rddreg [dreg:$0x2];
	s2 =	simm.s32 $0x0;
	s3 =	srdreg.scid  }
0x4: {  	s1 =	stileid.u32;
	s13 =	simm.s32 $0x1800;
	s14 =	simm.s32 $0x1900  }
0x5: {  	s15 =	simm.s32 $0x1A00;
	s16 =	simm.s32 $0x0;
	[smem:$0x7FF] =	sst s2  }
0x6: {  	s5 =	sadd.s32 $0x1A00, s4;
	s6 =	sand.u32 $0x1, s3;
	s7 =	sshrl.u32 s1, $0x2  }
0x7: {  	s3 =	sadd.s32 $0x2600, s4;
	s4 =	sadd.s32 $0x2800, s4;
	s12 =	sshll.u32 s1, $0x1  }
0x8: {  	_ =	strace $0x80000047;
	s9 =	ssub.s32 $0x2, s6;
	s10 =	smul.u32 $0x1800, s7  }
0x9: {  	s6 =	sor.u32 s6, s12;
	s7 =	smul.u32 $0x300, s7;
	s12 =	simm.s32 $0x1000  }
0xa: {  	s11 =	sshrl.u32 s9, $0x1;
	s31 =	smul.u32 $0x1C0, s6;
	s10 =	sshrl.u32 s10, $0x3  }
0xb: {  	s9 =	ssub.s32 s9, s11;
	s11 =	simm.s32 $0x800;
	s10 =	sadd.s32 s5, s10  }
0xc: {  	s5 =	sadd.s32 s5, s7;
	s8 =	sadd.s32 s8, s31;
	s9 =	smax.u32 s9, $0x1  }
0xd: {  	v0 =	vimm.f32 $0.0e+00;
	s6 =	sadd.s32 $0x100, s10;
	s7 =	sadd.s32 $0x200, s10;
	s10 =	simm.s32 $0x1  }
.LBB2_1:
0xe: {  	[tilespmem:s2], [sflag:$0x1] =	stream.linear.gather [hbm4b:s5+s2], $0x800, $0x38;
	[tilespmem:$0x5200] =	vst v63  }
0xf: {  	_ =	swait.ge [sflag:s10], $0x800  }
0x10: {  	[sflag:s10] =	ssyncset.done $0x0  }
0x11: {  	[sflag:s10] =	ssyncadd.s32 $0xFFFFF800  }
0x12: {  	[tilespmem:s11], [sflag:$0x1] =	stream.linear.gather [hbm4b:s6+s2], $0x800, $0x38;
	[tilespmem:$0x5200] =	vst v63  }
0x13: {  	_ =	swait.ge [sflag:s10], $0x800  }
0x14: {  	[sflag:s10] =	ssyncset.done $0x0  }
0x15: {  	[sflag:s10] =	ssyncadd.s32 $0xFFFFF800  }
0x16: {  	[tilespmem:s12], [sflag:$0x1] =	stream.linear.gather [hbm4b:s7+s2], $0x800, $0x38;
	[tilespmem:$0x5200] =	vst v63  }
0x17: {  	_ =	swait.ge [sflag:s10], $0x800  }
0x18: {  	[sflag:s10] =	ssyncset.done $0x0  }
0x19: {  	[sflag:s10] =	ssyncadd.s32 $0xFFFFF800  }
0x1a: {  	[tilespmem:s13], [sflag:$0x1] =	stream.linear.gather [hbm4b:s3+s2], $0x100, $0x38;
	[tilespmem:$0x5200] =	vst v63  }
0x1b: {  	_ =	swait.ge [sflag:s10], $0x100  }
0x1c: {  	[sflag:s10] =	ssyncset.done $0x0  }
0x1d: {  	[sflag:s10] =	ssyncadd.s32 $0xFFFFFF00  }
0x1e: {  	[tilespmem:s14], [sflag:$0x1] =	stream.linear.gather [hbm4b:s4+s2], $0x100, $0x38;
	[tilespmem:$0x5200] =	vst v63  }
0x1f: {  	_ =	swait.ge [sflag:s10], $0x100  }
0x20: {  	[sflag:s10] =	ssyncset.done $0x0  }
0x21: {  	s17 =	simm.s32 $0x0;
	[sflag:s10] =	ssyncadd.s32 $0xFFFFFF00  }
.LBB2_2:
0x22: {  	p0 =	sne.s32 s17, $0x37C0  }
.Ltmp0:
0x23: {  	s18 =	sshra.s32 s17, $0x2;
	(pc) =	sbr.rel @p0 .LBB2_2-.Ltmp0, $4  }
0x24: {  	[tilespmem:s18+$0x1A00] =	vst v0  }
0x25: {  	[tilespmem:s18+$0x2800] =	vst v0  }
0x26: {  	[tilespmem:s18+$0x3600] =	vst v0  }
0x27: {  	s17 =	sadd.s32 $0x40, s17;
	[tilespmem:s18+$0x4400] =	vst v0  }
0x28: {  	s17 =	simm.s32 $0x0  }
0x29: {  	v1 =	vld [tilespmem:s17+$0x2800]  }
0x2a: {  	v2 =	vld [tilespmem:s17+$0x3600]  }
0x2b: {  	s18 =	simm.s32 $0x40;
	v3 =	vld [tilespmem:s17+$0x4400]  }
.LBB2_4:
0x2c: {  	p0 =	sne.s32 s18, $0x37C0;
	v4 =	vld [tilespmem:s17+$0x1A00];
	_ =	sdelay $0x4  }
.Ltmp1:
0x2d: {  	v2 =	vadd.f32 v3, v2;
	v4 =	vadd.f32 v1, v4;
	(pc) =	sbr.rel @p0 .LBB2_4-.Ltmp1, $4  }
0x2e: {  	s19 =	sshra.s32 s18, $0x2  }
0x2f: {  	v1 =	vld [tilespmem:s19+$0x2800];
	v4 =	vadd.f32 v2, v4  }
0x30: {  	v2 =	vld [tilespmem:s19+$0x3600]  }
0x31: {  	s18 =	sadd.s32 $0x40, s18;
	v3 =	vld [tilespmem:s19+$0x4400];
	[tilespmem:s17+$0x1A00] =	vst v4;
	s17 =	smov.u32 s19  }
0x32: {  	v4 =	vld [tilespmem:s17+$0x1A00];
	_ =	sdelay $0x4  }
0x33: {  	v2 =	vadd.f32 v3, v2;
	v1 =	vadd.f32 v1, v4;
	_ =	sdelay $0x1  }
0x34: {  	s16 =	sadd.s32 $0x1, s16;
	v1 =	vadd.f32 v2, v1  }
0x35: {  	p0 =	sne.s32 s16, s9  }
.Ltmp2:
0x36: {  	[tilespmem:s17+$0x1A00] =	vst v1;
	(pc) =	sbr.rel @p0 .LBB2_1-.Ltmp2, $4  }
0x37: {  	[hbm4b:s8+s2] =	stream.linear.scatter [tilespmem:s15], [sflag:$0x1], $0xE00, $0x38;
	[tilespmem:$0x5200] =	vst v63  }
0x38: {  	_ =	swait.ge [sflag:s10], $0xE00  }
0x39: {  	[sflag:s10] =	ssyncset.done $0x0  }
0x3a: {  	[sflag:s10] =	ssyncadd.s32 $0xFFFFF200  }
0x3b: {  	_ =	sfence.sel $0x180000  }
0x3c: {  	[bflag:$0x0] =	sbarrier.arrive $0xFFFF  }
0x3d: {  	p0 =	sne.s32 s1, $0x0;
	_ =	strace $0x90000047  }
0x3e: {  	s0 =	sadd.s32 @!p0 $0x100000, s0;
	[bflag:$0x2] =	sbarrier.arrive $0xFFFF  }
0x3f: {  	[sflag:s0] =	ssyncadd.tile.s32 @!p0 $0x1;
	_ =	shalt  }
.Lfunc_end2:
_tile_overlayer_lowered:
.L_overlay_start_2:
0x40: {  	(tag) =	ssettag $0x2  }
0x41: {  	s0 =	rddreg [dreg:$0x0];
	s2 =	stileid.u32  }
0x42: {  	s1 =	rddreg [dreg:$0x1];
	p0 =	sne.s32 s2, $0x0  }
0x43: {  	s3 =	rddreg [dreg:$0x2];
	[bflag:$0x3] =	sbarrier.arrive $0xFFFF;
	s2 =	simm.s32 @!p0 $0x1C01  }
0x44: {  	[timem:s3], [sflag:s2] =	dma.local @!p0 [hbm:s0], s1  }
0x45: {  	s0 =	simm.s32 @!p0 $0x1  }
0x46: {  	_ =	swait.ge @!p0 [sflag:s0], s1  }
0x47: {  	s1 =	ssub.s32 @!p0 $0x0, s1;
	[sflag:s0] =	ssyncset.done @!p0 $0x0  }
0x48: {  	[sflag:s0] =	ssyncadd.s32 @!p0 s1  }
0x49: {  	[bflag:$0x3] =	sbarrier.arrive $0xFFFF  }
0x4a: {  	_ =	shalt  }

</sc_bundles>
